<compile_context>
chip_gen: v7x
topology: tpu7x:2x2x1
jax: 0.10.2.dev20260603
libtpu: 0.0.44.dev20260713+nightly
codegen_flags: <defaults>
</compile_context>

<pallas_src>
import functools

import jax
import jax.numpy as jnp
from jax import lax
from jax.experimental import pallas as pl
from jax.experimental.pallas import tpu as pltpu
from jax.experimental.pallas import tpu_sc as plsc

N = 10000
E = 320000
D = 128

NC = 2
NS = 16
NW = NC * NS
CH = 128
NCHUNK = E // CH
NP = 10240
ROWS_PER_TILE = NP // NS
FULL_ITERS = NCHUNK // NW


def _sc_agg_deg_body(x_hbm, src_hbm, dst_hbm, zc_hbm, acc_out, deg_out,
                     sidx_v, didx_v, rows_v, sem, acc_sh, degv):
    c = lax.axis_index("c")
    s = lax.axis_index("s")
    w = s * NC + c
    rbase = s * ROWS_PER_TILE
    zeros16 = jnp.zeros((16,), jnp.float32)
    ones16 = jnp.ones((16,), jnp.float32)

    pltpu.sync_copy(zc_hbm, acc_sh.at[pl.ds(rbase, ROWS_PER_TILE)])

    def zbody(i, carry):
        for k in range(16):
            degv[pl.ds((i * 16 + k) * 16, 16)] = zeros16
        return carry

    lax.fori_loop(0, NP // 256, zbody, 0)
    plsc.subcore_barrier()

    n_iter = FULL_ITERS + jnp.where(w < NCHUNK - FULL_ITERS * NW, 1, 0)

    def body(i, carry):
        eb = (w + i * NW) * CH
        pltpu.sync_copy(src_hbm.at[pl.ds(eb, CH)], sidx_v)
        pltpu.sync_copy(dst_hbm.at[pl.ds(eb, CH)], didx_v)
        pltpu.async_copy(x_hbm.at[sidx_v], rows_v, sem).wait()
        pltpu.sync_copy(rows_v, acc_sh.at[didx_v], add=True)
        for j in range(CH // 16):
            plsc.addupdate_scatter(degv, [didx_v[pl.ds(j * 16, 16)]], ones16)
        return carry

    lax.fori_loop(0, n_iter, body, 0)
    plsc.subcore_barrier()

    pltpu.sync_copy(acc_sh.at[pl.ds(rbase, ROWS_PER_TILE)],
                    acc_out.at[c, pl.ds(rbase, ROWS_PER_TILE)])
    pltpu.sync_copy(degv, deg_out.at[w])


def _sc_agg_body(x_hbm, src_hbm, dst_hbm, zc_hbm, acc_out,
                 sidx_v, didx_v, rows_v, sem, acc_sh):
    c = lax.axis_index("c")
    s = lax.axis_index("s")
    w = s * NC + c
    rbase = s * ROWS_PER_TILE

    pltpu.sync_copy(zc_hbm, acc_sh.at[pl.ds(rbase, ROWS_PER_TILE)])
    plsc.subcore_barrier()

    n_iter = FULL_ITERS + jnp.where(w < NCHUNK - FULL_ITERS * NW, 1, 0)

    def body(i, carry):
        eb = (w + i * NW) * CH
        pltpu.sync_copy(src_hbm.at[pl.ds(eb, CH)], sidx_v)
        pltpu.sync_copy(dst_hbm.at[pl.ds(eb, CH)], didx_v)
        pltpu.async_copy(x_hbm.at[sidx_v], rows_v, sem).wait()
        pltpu.sync_copy(rows_v, acc_sh.at[didx_v], add=True)
        return carry

    lax.fori_loop(0, n_iter, body, 0)
    plsc.subcore_barrier()

    pltpu.sync_copy(acc_sh.at[pl.ds(rbase, ROWS_PER_TILE)],
                    acc_out.at[c, pl.ds(rbase, ROWS_PER_TILE)])


def _sc_aggregate(x, src, dst, with_deg):
    mesh = plsc.VectorSubcoreMesh(core_axis_name="c", subcore_axis_name="s")
    zc = jnp.zeros((ROWS_PER_TILE, D), jnp.float32)
    scratch = [
        pltpu.VMEM((CH,), jnp.int32),
        pltpu.VMEM((CH,), jnp.int32),
        pltpu.VMEM((CH, D), jnp.float32),
        pltpu.SemaphoreType.DMA,
        pltpu.VMEM_SHARED((NP, D), jnp.float32),
    ]
    if with_deg:
        scratch.append(pltpu.VMEM((NP,), jnp.float32))
        kern = pl.kernel(
            _sc_agg_deg_body,
            out_type=(jax.ShapeDtypeStruct((NC, NP, D), jnp.float32),
                      jax.ShapeDtypeStruct((NW, NP), jnp.float32)),
            mesh=mesh,
            scratch_types=scratch,
            compiler_params=pltpu.CompilerParams(needs_layout_passes=False),
        )
        return kern(x, src, dst, zc)
    kern = pl.kernel(
        _sc_agg_body,
        out_type=jax.ShapeDtypeStruct((NC, NP, D), jnp.float32),
        mesh=mesh,
        scratch_types=scratch,
    )
    return kern(x, src, dst, zc)


def _tc_layer_body(relu, acc_ref, deg_ref, x_ref, wl_ref, wc_ref, b_ref, o_ref):
    a = acc_ref[0] + acc_ref[1]
    d = jnp.sum(deg_ref[...], axis=0)
    dclip = jnp.maximum(d, 1.0)[:, None]
    mean = a / dclip
    y = (jnp.dot(mean, wl_ref[...], preferred_element_type=jnp.float32)
         + jnp.dot(x_ref[...], wc_ref[...], preferred_element_type=jnp.float32)
         + b_ref[...])
    if relu:
        y = jnp.maximum(y, 0.0)
    o_ref[...] = y


def _tc_layer(acc, deg, x, wl, wc, b, relu):
    R = 2048
    grid = (NP // R,)
    return pl.pallas_call(
        functools.partial(_tc_layer_body, relu),
        grid=grid,
        in_specs=[
            pl.BlockSpec((NC, R, D), lambda i: (0, i, 0)),
            pl.BlockSpec((NW, R), lambda i: (0, i)),
            pl.BlockSpec((R, D), lambda i: (i, 0)),
            pl.BlockSpec((D, D), lambda i: (0, 0)),
            pl.BlockSpec((D, D), lambda i: (0, 0)),
            pl.BlockSpec((1, D), lambda i: (0, 0)),
        ],
        out_specs=pl.BlockSpec((R, D), lambda i: (i, 0)),
        out_shape=jax.ShapeDtypeStruct((NP, D), jnp.float32),
    )(acc, deg, x, wl, wc, b)


def kernel(x, edge_index, W1l, b1l, W1r, Wlin1, blin1, W2l, b2l, W2r, Wlin2, blin2):
    src = edge_index[0]
    dst = edge_index[1]
    xp = jnp.concatenate([x, jnp.zeros((NP - N, D), jnp.float32)], axis=0)
    acc1, deg = _sc_aggregate(xp, src, dst, with_deg=True)
    h = _tc_layer(acc1, deg, xp, W1l, W1r + Wlin1,
                  (b1l + blin1).reshape(1, D), relu=True)
    acc2 = _sc_aggregate(h, src, dst, with_deg=False)
    out = _tc_layer(acc2, deg, h, W2l, W2r + Wlin2,
                    (b2l + blin2).reshape(1, D), relu=False)
    return out[:N]

# --- scband reference (transcript-rebuilt; emitter-appended) ---
"""Pipeline reference for scband-gnn-41051297415239 (READ-ONLY COPY).

The authoritative reference and input builder live on the scoring server;
editing this copy changes nothing except your own understanding.
"""

import jax, jax.numpy as jnp
import numpy as np

N = 10000
E = 320000
D = 128
H = 128
O = 128


def setup_inputs(seed: int = 0) -> dict:
    key = jax.random.key(seed)
    ks = jax.random.split(key, 14)
    x = jax.random.normal(ks[0], (N, D), dtype=jnp.float32)
    edge_index = jax.random.randint(ks[1], (2, E), 0, N, dtype=jnp.int32)
    s_d = 1.0 / np.sqrt(D)
    s_h = 1.0 / np.sqrt(H)
    # conv1 (SAGEConv): lin_l (aggregated neighbors, with bias), lin_r (root, no bias)
    W1l = jax.random.normal(ks[2], (D, H), dtype=jnp.float32) * s_d
    b1l = jnp.zeros((H,), dtype=jnp.float32)
    W1r = jax.random.normal(ks[3], (D, H), dtype=jnp.float32) * s_d
    # lin1
    Wlin1 = jax.random.normal(ks[4], (D, H), dtype=jnp.float32) * s_d
    blin1 = jnp.zeros((H,), dtype=jnp.float32)
    # conv2
    W2l = jax.random.normal(ks[5], (H, O), dtype=jnp.float32) * s_h
    b2l = jnp.zeros((O,), dtype=jnp.float32)
    W2r = jax.random.normal(ks[6], (H, O), dtype=jnp.float32) * s_h
    # lin2
    Wlin2 = jax.random.normal(ks[7], (H, O), dtype=jnp.float32) * s_h
    blin2 = jnp.zeros((O,), dtype=jnp.float32)
    return {
        "x": x, "edge_index": edge_index,
        "W1l": W1l, "b1l": b1l, "W1r": W1r,
        "Wlin1": Wlin1, "blin1": blin1,
        "W2l": W2l, "b2l": b2l, "W2r": W2r,
        "Wlin2": Wlin2, "blin2": blin2,
    }


def _sage_conv(x, edge_index, Wl, bl, Wr):
    # PyG SAGEConv with mean aggregation:
    # out = lin_l(mean_{j in N(i)} x_j) + lin_r(x_i)
    src = edge_index[0]
    dst = edge_index[1]
    msgs = jnp.take(x, src, axis=0)
    agg = jax.ops.segment_sum(msgs, dst, num_segments=N)
    deg = jax.ops.segment_sum(jnp.ones((edge_index.shape[1],), x.dtype), dst, num_segments=N)
    mean = agg / jnp.clip(deg, 1.0)[:, None]
    return mean @ Wl + bl + x @ Wr


def reference(x, edge_index, W1l, b1l, W1r, Wlin1, blin1, W2l, b2l, W2r, Wlin2, blin2):
    h = _sage_conv(x, edge_index, W1l, b1l, W1r) + (x @ Wlin1 + blin1)
    h = jax.nn.relu(h)
    out = _sage_conv(h, edge_index, W2l, b2l, W2r) + (h @ Wlin2 + blin2)
    return out

if __name__ == "__main__":
    import jax
    _d = setup_inputs()
    print(jax.jit(kernel)(*tuple(_d.values())))

</pallas_src>

<mosaic_0001>
#map = affine_map<(d0, d1) -> (0, 0)>
#map1 = affine_map<(d0, d1) -> (0)>
#map2 = affine_map<(d0, d1) -> (0, 0, 0)>
module attributes {stable_mosaic.version = 14 : i64} {
  func.func @_sc_agg_deg_body(%arg0: i32, %arg1: i32, %arg2: memref<10240x128xf32, #tpu.memory_space<hbm>>, %arg3: memref<320000xi32, #tpu.memory_space<hbm>>, %arg4: memref<320000xi32, #tpu.memory_space<hbm>>, %arg5: memref<640x128xf32, #tpu.memory_space<hbm>>, %arg6: memref<2x10240x128xf32, #tpu.memory_space<hbm>>, %arg7: memref<32x10240xf32, #tpu.memory_space<hbm>>, %arg8: memref<128xi32, #tpu.memory_space<vmem>>, %arg9: memref<128xi32, #tpu.memory_space<vmem>>, %arg10: memref<128x128xf32, #tpu.memory_space<vmem>>, %arg11: memref<!tpu.dma_semaphore, #tpu.memory_space<semaphore_mem>>, %arg12: memref<10240x128xf32, #tpu.memory_space<vmem_shared>>, %arg13: memref<10240xf32, #tpu.memory_space<vmem>>) attributes {dimension_semantics = [#tpu.dimension_semantics<core_parallel>, #tpu.dimension_semantics<subcore_parallel>], iteration_bounds = array<i64: 2, 16>, scalar_prefetch = 0 : i64, scratch_operands = 6 : i64, tpu.core_type = #tpu.core_type<sc_vector_subcore>, window_params = [{transform_indices = #map}, {transform_indices = #map1}, {transform_indices = #map1}, {transform_indices = #map}, {transform_indices = #map2}, {transform_indices = #map}]} {
    %mul3A = arith.constant 2 : i32
    %mul3A_0 = arith.muli %arg1, %mul3A : i32
    %add3A = arith.addi %mul3A_0, %arg0 : i32
    %mul3A_1 = arith.constant 640 : i32
    %mul3A_2 = arith.muli %arg1, %mul3A_1 : i32
    %broadcast_in_dim3A = arith.constant 0.000000e+00 : f32
    %broadcast_in_dim3A_3 = vector.broadcast %broadcast_in_dim3A : f32 to vector<16xf32>
    %broadcast_in_dim3A_4 = arith.constant 1.000000e+00 : f32
    %broadcast_in_dim3A_5 = vector.broadcast %broadcast_in_dim3A_4 : f32 to vector<16xf32>
    "tpu.region"() ({
      %run_scoped3A = tpu.sem_alloc : memref<!tpu.dma_semaphore, #tpu.memory_space<semaphore_mem>>
      %dma_start3A = arith.constant 0 : i32
      %dma_start3A_25 = tpu.memref_slice %arg12[%mul3A_2, %dma_start3A] : memref<10240x128xf32, #tpu.memory_space<vmem_shared>> -> memref<640x128xf32, #tpu.memory_space<vmem_shared>>
      tpu.enqueue_dma source(%arg5 : memref<640x128xf32, #tpu.memory_space<hbm>>) target(%dma_start3A_25 : memref<640x128xf32, #tpu.memory_space<vmem_shared>>) target_semaphore(%run_scoped3A : memref<!tpu.dma_semaphore, #tpu.memory_space<semaphore_mem>>)
      %dma_wait3A = arith.constant 0 : i32
      %dma_wait3A_26 = tpu.memref_slice %arg12[%mul3A_2, %dma_wait3A] : memref<10240x128xf32, #tpu.memory_space<vmem_shared>> -> memref<640x128xf32, #tpu.memory_space<vmem_shared>>
      tpu.wait_dma2 semaphore(%run_scoped3A : memref<!tpu.dma_semaphore, #tpu.memory_space<semaphore_mem>>) src(%arg5 : memref<640x128xf32, #tpu.memory_space<hbm>>) dst(%dma_wait3A_26 : memref<640x128xf32, #tpu.memory_space<vmem_shared>>)
      tpu.yield
    }) : () -> ()
    %scan3A = arith.constant 0 : i32
    %scan3A_6 = arith.constant 0 : i32
    %scan3A_7 = arith.constant 40 : i32
    %scan3A_8 = arith.addi %scan3A_6, %scan3A_7 : i32
    %scan3A_9 = arith.constant 1 : i32
    scf.for %scan3A_25 = %scan3A_6 to %scan3A_8 step %scan3A_9  : i32 {
      %mul3A_26 = arith.constant 16 : i32
      %mul3A_27 = arith.muli %scan3A_25, %mul3A_26 : i32
      %add3A_28 = arith.constant 0 : i32
      %add3A_29 = arith.addi %mul3A_27, %add3A_28 : i32
      %mul3A_30 = arith.constant 16 : i32
      %mul3A_31 = arith.muli %add3A_29, %mul3A_30 : i32
      %swap3A = arith.index_cast %mul3A_31 : i32 to index
      %swap3A_32 = tpu.vector_load %arg13[%swap3A] {strides = array<i32>} : memref<10240xf32, #tpu.memory_space<vmem>>, vector<16xf32>,
      tpu.vector_store %arg13[%swap3A], %broadcast_in_dim3A_3 {strides = array<i32>} : memref<10240xf32, #tpu.memory_space<vmem>>, vector<16xf32>,
      %mul3A_33 = arith.constant 16 : i32
      %mul3A_34 = arith.muli %scan3A_25, %mul3A_33 : i32
      %add3A_35 = arith.constant 1 : i32
      %add3A_36 = arith.addi %mul3A_34, %add3A_35 : i32
      %mul3A_37 = arith.constant 16 : i32
      %mul3A_38 = arith.muli %add3A_36, %mul3A_37 : i32
      %swap3A_39 = arith.index_cast %mul3A_38 : i32 to index
      %swap3A_40 = tpu.vector_load %arg13[%swap3A_39] {strides = array<i32>} : memref<10240xf32, #tpu.memory_space<vmem>>, vector<16xf32>,
      tpu.vector_store %arg13[%swap3A_39], %broadcast_in_dim3A_3 {strides = array<i32>} : memref<10240xf32, #tpu.memory_space<vmem>>, vector<16xf32>,
      %mul3A_41 = arith.constant 16 : i32
      %mul3A_42 = arith.muli %scan3A_25, %mul3A_41 : i32
      %add3A_43 = arith.constant 2 : i32
      %add3A_44 = arith.addi %mul3A_42, %add3A_43 : i32
      %mul3A_45 = arith.constant 16 : i32
      %mul3A_46 = arith.muli %add3A_44, %mul3A_45 : i32
      %swap3A_47 = arith.index_cast %mul3A_46 : i32 to index
      %swap3A_48 = tpu.vector_load %arg13[%swap3A_47] {strides = array<i32>} : memref<10240xf32, #tpu.memory_space<vmem>>, vector<16xf32>,
      tpu.vector_store %arg13[%swap3A_47], %broadcast_in_dim3A_3 {strides = array<i32>} : memref<10240xf32, #tpu.memory_space<vmem>>, vector<16xf32>,
      %mul3A_49 = arith.constant 16 : i32
      %mul3A_50 = arith.muli %scan3A_25, %mul3A_49 : i32
      %add3A_51 = arith.constant 3 : i32
      %add3A_52 = arith.addi %mul3A_50, %add3A_51 : i32
      %mul3A_53 = arith.constant 16 : i32
      %mul3A_54 = arith.muli %add3A_52, %mul3A_53 : i32
      %swap3A_55 = arith.index_cast %mul3A_54 : i32 to index
      %swap3A_56 = tpu.vector_load %arg13[%swap3A_55] {strides = array<i32>} : memref<10240xf32, #tpu.memory_space<vmem>>, vector<16xf32>,
      tpu.vector_store %arg13[%swap3A_55], %broadcast_in_dim3A_3 {strides = array<i32>} : memref<10240xf32, #tpu.memory_space<vmem>>, vector<16xf32>,
      %mul3A_57 = arith.constant 16 : i32
      %mul3A_58 = arith.muli %scan3A_25, %mul3A_57 : i32
      %add3A_59 = arith.constant 4 : i32
      %add3A_60 = arith.addi %mul3A_58, %add3A_59 : i32
      %mul3A_61 = arith.constant 16 : i32
      %mul3A_62 = arith.muli %add3A_60, %mul3A_61 : i32
      %swap3A_63 = arith.index_cast %mul3A_62 : i32 to index
      %swap3A_64 = tpu.vector_load %arg13[%swap3A_63] {strides = array<i32>} : memref<10240xf32, #tpu.memory_space<vmem>>, vector<16xf32>,
      tpu.vector_store %arg13[%swap3A_63], %broadcast_in_dim3A_3 {strides = array<i32>} : memref<10240xf32, #tpu.memory_space<vmem>>, vector<16xf32>,
      %mul3A_65 = arith.constant 16 : i32
      %mul3A_66 = arith.muli %scan3A_25, %mul3A_65 : i32
      %add3A_67 = arith.constant 5 : i32
      %add3A_68 = arith.addi %mul3A_66, %add3A_67 : i32
      %mul3A_69 = arith.constant 16 : i32
      %mul3A_70 = arith.muli %add3A_68, %mul3A_69 : i32
      %swap3A_71 = arith.index_cast %mul3A_70 : i32 to index
      %swap3A_72 = tpu.vector_load %arg13[%swap3A_71] {strides = array<i32>} : memref<10240xf32, #tpu.memory_space<vmem>>, vector<16xf32>,
      tpu.vector_store %arg13[%swap3A_71], %broadcast_in_dim3A_3 {strides = array<i32>} : memref<10240xf32, #tpu.memory_space<vmem>>, vector<16xf32>,
      %mul3A_73 = arith.constant 16 : i32
      %mul3A_74 = arith.muli %scan3A_25, %mul3A_73 : i32
      %add3A_75 = arith.constant 6 : i32
      %add3A_76 = arith.addi %mul3A_74, %add3A_75 : i32
      %mul3A_77 = arith.constant 16 : i32
      %mul3A_78 = arith.muli %add3A_76, %mul3A_77 : i32
      %swap3A_79 = arith.index_cast %mul3A_78 : i32 to index
      %swap3A_80 = tpu.vector_load %arg13[%swap3A_79] {strides = array<i32>} : memref<10240xf32, #tpu.memory_space<vmem>>, vector<16xf32>,
      tpu.vector_store %arg13[%swap3A_79], %broadcast_in_dim3A_3 {strides = array<i32>} : memref<10240xf32, #tpu.memory_space<vmem>>, vector<16xf32>,
      %mul3A_81 = arith.constant 16 : i32
      %mul3A_82 = arith.muli %scan3A_25, %mul3A_81 : i32
      %add3A_83 = arith.constant 7 : i32
      %add3A_84 = arith.addi %mul3A_82, %add3A_83 : i32
      %mul3A_85 = arith.constant 16 : i32
      %mul3A_86 = arith.muli %add3A_84, %mul3A_85 : i32
      %swap3A_87 = arith.index_cast %mul3A_86 : i32 to index
      %swap3A_88 = tpu.vector_load %arg13[%swap3A_87] {strides = array<i32>} : memref<10240xf32, #tpu.memory_space<vmem>>, vector<16xf32>,
      tpu.vector_store %arg13[%swap3A_87], %broadcast_in_dim3A_3 {strides = array<i32>} : memref<10240xf32, #tpu.memory_space<vmem>>, vector<16xf32>,
      %mul3A_89 = arith.constant 16 : i32
      %mul3A_90 = arith.muli %scan3A_25, %mul3A_89 : i32
      %add3A_91 = arith.constant 8 : i32
      %add3A_92 = arith.addi %mul3A_90, %add3A_91 : i32
      %mul3A_93 = arith.constant 16 : i32
      %mul3A_94 = arith.muli %add3A_92, %mul3A_93 : i32
      %swap3A_95 = arith.index_cast %mul3A_94 : i32 to index
      %swap3A_96 = tpu.vector_load %arg13[%swap3A_95] {strides = array<i32>} : memref<10240xf32, #tpu.memory_space<vmem>>, vector<16xf32>,
      tpu.vector_store %arg13[%swap3A_95], %broadcast_in_dim3A_3 {strides = array<i32>} : memref<10240xf32, #tpu.memory_space<vmem>>, vector<16xf32>,
      %mul3A_97 = arith.constant 16 : i32
      %mul3A_98 = arith.muli %scan3A_25, %mul3A_97 : i32
      %add3A_99 = arith.constant 9 : i32
      %add3A_100 = arith.addi %mul3A_98, %add3A_99 : i32
      %mul3A_101 = arith.constant 16 : i32
      %mul3A_102 = arith.muli %add3A_100, %mul3A_101 : i32
      %swap3A_103 = arith.index_cast %mul3A_102 : i32 to index
      %swap3A_104 = tpu.vector_load %arg13[%swap3A_103] {strides = array<i32>} : memref<10240xf32, #tpu.memory_space<vmem>>, vector<16xf32>,
      tpu.vector_store %arg13[%swap3A_103], %broadcast_in_dim3A_3 {strides = array<i32>} : memref<10240xf32, #tpu.memory_space<vmem>>, vector<16xf32>,
      %mul3A_105 = arith.constant 16 : i32
      %mul3A_106 = arith.muli %scan3A_25, %mul3A_105 : i32
      %add3A_107 = arith.constant 10 : i32
      %add3A_108 = arith.addi %mul3A_106, %add3A_107 : i32
      %mul3A_109 = arith.constant 16 : i32
      %mul3A_110 = arith.muli %add3A_108, %mul3A_109 : i32
      %swap3A_111 = arith.index_cast %mul3A_110 : i32 to index
      %swap3A_112 = tpu.vector_load %arg13[%swap3A_111] {strides = array<i32>} : memref<10240xf32, #tpu.memory_space<vmem>>, vector<16xf32>,
      tpu.vector_store %arg13[%swap3A_111], %broadcast_in_dim3A_3 {strides = array<i32>} : memref<10240xf32, #tpu.memory_space<vmem>>, vector<16xf32>,
      %mul3A_113 = arith.constant 16 : i32
      %mul3A_114 = arith.muli %scan3A_25, %mul3A_113 : i32
      %add3A_115 = arith.constant 11 : i32
      %add3A_116 = arith.addi %mul3A_114, %add3A_115 : i32
      %mul3A_117 = arith.constant 16 : i32
      %mul3A_118 = arith.muli %add3A_116, %mul3A_117 : i32
      %swap3A_119 = arith.index_cast %mul3A_118 : i32 to index
      %swap3A_120 = tpu.vector_load %arg13[%swap3A_119] {strides = array<i32>} : memref<10240xf32, #tpu.memory_space<vmem>>, vector<16xf32>,
      tpu.vector_store %arg13[%swap3A_119], %broadcast_in_dim3A_3 {strides = array<i32>} : memref<10240xf32, #tpu.memory_space<vmem>>, vector<16xf32>,
      %mul3A_121 = arith.constant 16 : i32
      %mul3A_122 = arith.muli %scan3A_25, %mul3A_121 : i32
      %add3A_123 = arith.constant 12 : i32
      %add3A_124 = arith.addi %mul3A_122, %add3A_123 : i32
      %mul3A_125 = arith.constant 16 : i32
      %mul3A_126 = arith.muli %add3A_124, %mul3A_125 : i32
      %swap3A_127 = arith.index_cast %mul3A_126 : i32 to index
      %swap3A_128 = tpu.vector_load %arg13[%swap3A_127] {strides = array<i32>} : memref<10240xf32, #tpu.memory_space<vmem>>, vector<16xf32>,
      tpu.vector_store %arg13[%swap3A_127], %broadcast_in_dim3A_3 {strides = array<i32>} : memref<10240xf32, #tpu.memory_space<vmem>>, vector<16xf32>,
      %mul3A_129 = arith.constant 16 : i32
      %mul3A_130 = arith.muli %scan3A_25, %mul3A_129 : i32
      %add3A_131 = arith.constant 13 : i32
      %add3A_132 = arith.addi %mul3A_130, %add3A_131 : i32
      %mul3A_133 = arith.constant 16 : i32
      %mul3A_134 = arith.muli %add3A_132, %mul3A_133 : i32
      %swap3A_135 = arith.index_cast %mul3A_134 : i32 to index
      %swap3A_136 = tpu.vector_load %arg13[%swap3A_135] {strides = array<i32>} : memref<10240xf32, #tpu.memory_space<vmem>>, vector<16xf32>,
      tpu.vector_store %arg13[%swap3A_135], %broadcast_in_dim3A_3 {strides = array<i32>} : memref<10240xf32, #tpu.memory_space<vmem>>, vector<16xf32>,
      %mul3A_137 = arith.constant 16 : i32
      %mul3A_138 = arith.muli %scan3A_25, %mul3A_137 : i32
      %add3A_139 = arith.constant 14 : i32
      %add3A_140 = arith.addi %mul3A_138, %add3A_139 : i32
      %mul3A_141 = arith.constant 16 : i32
      %mul3A_142 = arith.muli %add3A_140, %mul3A_141 : i32
      %swap3A_143 = arith.index_cast %mul3A_142 : i32 to index
      %swap3A_144 = tpu.vector_load %arg13[%swap3A_143] {strides = array<i32>} : memref<10240xf32, #tpu.memory_space<vmem>>, vector<16xf32>,
      tpu.vector_store %arg13[%swap3A_143], %broadcast_in_dim3A_3 {strides = array<i32>} : memref<10240xf32, #tpu.memory_space<vmem>>, vector<16xf32>,
      %mul3A_145 = arith.constant 16 : i32
      %mul3A_146 = arith.muli %scan3A_25, %mul3A_145 : i32
      %add3A_147 = arith.constant 15 : i32
      %add3A_148 = arith.addi %mul3A_146, %add3A_147 : i32
      %mul3A_149 = arith.constant 16 : i32
      %mul3A_150 = arith.muli %add3A_148, %mul3A_149 : i32
      %swap3A_151 = arith.index_cast %mul3A_150 : i32 to index
      %swap3A_152 = tpu.vector_load %arg13[%swap3A_151] {strides = array<i32>} : memref<10240xf32, #tpu.memory_space<vmem>>, vector<16xf32>,
      tpu.vector_store %arg13[%swap3A_151], %broadcast_in_dim3A_3 {strides = array<i32>} : memref<10240xf32, #tpu.memory_space<vmem>>, vector<16xf32>,
    }
    %scan3A_10 = arith.constant 40 : i32
    %barrier3A = arith.constant 0 : index
    tpu.barrier barrier_id(%barrier3A)
    %lt3A = arith.constant 4 : i32
    %lt3A_11 = arith.cmpi slt, %add3A, %lt3A : i32
    %jit3A = arith.constant 1 : i32
    %jit3A_12 = arith.constant 0 : i32
    %select_n3A = arith.select %lt3A_11, %jit3A, %jit3A_12 : i32
    %add3A_13 = arith.constant 78 : i32
    %add3A_14 = arith.addi %add3A_13, %select_n3A : i32
    %while3A = arith.constant 0 : i32
    %while3A_15 = arith.constant 0 : i32
    %while3A_16 = arith.subi %add3A_14, %while3A_15 : i32
    %while3A_17 = arith.addi %while3A_15, %while3A_16 : i32
    %while3A_18 = arith.constant 1 : i32
    %while3A_19 = arith.divsi %while3A_16, %while3A_18 : i32
    %while3A_20 = arith.muli %while3A_19, %while3A_18 : i32
    %while3A_21 = arith.addi %while3A_15, %while3A_20 : i32
    %while3A_22 = arith.constant 1 : i32
    scf.for %while3A_25 = %while3A_15 to %while3A_21 step %while3A_22  : i32 {
      %mul3A_26 = arith.constant 32 : i32
      %mul3A_27 = arith.muli %while3A_25, %mul3A_26 : i32
      %add3A_28 = arith.addi %add3A, %mul3A_27 : i32
      %mul3A_29 = arith.constant 128 : i32
      %mul3A_30 = arith.muli %add3A_28, %mul3A_29 : i32
      "tpu.region"() ({
        %run_scoped3A = tpu.sem_alloc : memref<!tpu.dma_semaphore, #tpu.memory_space<semaphore_mem>>
        %dma_start3A_50 = tpu.memref_slice %arg3[%mul3A_30] : memref<320000xi32, #tpu.memory_space<hbm>> -> memref<128xi32, #tpu.memory_space<hbm>>
        %dma_start3A_51 = tpu.memref_slice %arg3[%mul3A_30] : memref<320000xi32, #tpu.memory_space<hbm>> -> memref<128xi32, #tpu.memory_space<hbm>>
        tpu.enqueue_dma source(%dma_start3A_51 : memref<128xi32, #tpu.memory_space<hbm>>) target(%arg8 : memref<128xi32, #tpu.memory_space<vmem>>) target_semaphore(%run_scoped3A : memref<!tpu.dma_semaphore, #tpu.memory_space<semaphore_mem>>)
        %dma_wait3A_52 = tpu.memref_slice %arg3[%mul3A_30] : memref<320000xi32, #tpu.memory_space<hbm>> -> memref<128xi32, #tpu.memory_space<hbm>>
        %dma_wait3A_53 = tpu.memref_slice %arg3[%mul3A_30] : memref<320000xi32, #tpu.memory_space<hbm>> -> memref<128xi32, #tpu.memory_space<hbm>>
        tpu.wait_dma2 semaphore(%run_scoped3A : memref<!tpu.dma_semaphore, #tpu.memory_space<semaphore_mem>>) src(%dma_wait3A_53 : memref<128xi32, #tpu.memory_space<hbm>>) dst(%arg8 : memref<128xi32, #tpu.memory_space<vmem>>)
        tpu.yield
      }) : () -> ()
      "tpu.region"() ({
        %run_scoped3A = tpu.sem_alloc : memref<!tpu.dma_semaphore, #tpu.memory_space<semaphore_mem>>
        %dma_start3A_50 = tpu.memref_slice %arg4[%mul3A_30] : memref<320000xi32, #tpu.memory_space<hbm>> -> memref<128xi32, #tpu.memory_space<hbm>>
        %dma_start3A_51 = tpu.memref_slice %arg4[%mul3A_30] : memref<320000xi32, #tpu.memory_space<hbm>> -> memref<128xi32, #tpu.memory_space<hbm>>
        tpu.enqueue_dma source(%dma_start3A_51 : memref<128xi32, #tpu.memory_space<hbm>>) target(%arg9 : memref<128xi32, #tpu.memory_space<vmem>>) target_semaphore(%run_scoped3A : memref<!tpu.dma_semaphore, #tpu.memory_space<semaphore_mem>>)
        %dma_wait3A_52 = tpu.memref_slice %arg4[%mul3A_30] : memref<320000xi32, #tpu.memory_space<hbm>> -> memref<128xi32, #tpu.memory_space<hbm>>
        %dma_wait3A_53 = tpu.memref_slice %arg4[%mul3A_30] : memref<320000xi32, #tpu.memory_space<hbm>> -> memref<128xi32, #tpu.memory_space<hbm>>
        tpu.wait_dma2 semaphore(%run_scoped3A : memref<!tpu.dma_semaphore, #tpu.memory_space<semaphore_mem>>) src(%dma_wait3A_53 : memref<128xi32, #tpu.memory_space<hbm>>) dst(%arg9 : memref<128xi32, #tpu.memory_space<vmem>>)
        tpu.yield
      }) : () -> ()
      %dma_start3A = arith.constant 0 : i32
      %dma_start3A_31 = arith.constant 0 : i32
      %dma_start3A_32 = tpu.memref_slice %arg2[%dma_start3A, %dma_start3A_31] : memref<10240x128xf32, #tpu.memory_space<hbm>> -> memref<10240x128xf32, #tpu.memory_space<hbm>>
      tpu.enqueue_indirect_dma source(%dma_start3A_32 : memref<10240x128xf32, #tpu.memory_space<hbm>>) target(%arg10 : memref<128x128xf32, #tpu.memory_space<vmem>>) offsets(%arg8 : memref<128xi32, #tpu.memory_space<vmem>>) semaphore(%arg11 : memref<!tpu.dma_semaphore, #tpu.memory_space<semaphore_mem>>)
      %dma_wait3A = arith.constant 0 : i32
      %dma_wait3A_33 = arith.constant 0 : i32
      %dma_wait3A_34 = tpu.memref_slice %arg2[%dma_wait3A, %dma_wait3A_33] : memref<10240x128xf32, #tpu.memory_space<hbm>> -> memref<10240x128xf32, #tpu.memory_space<hbm>>
      tpu.wait_indirect_dma semaphore(%arg11 : memref<!tpu.dma_semaphore, #tpu.memory_space<semaphore_mem>>) src(%dma_wait3A_34 : memref<10240x128xf32, #tpu.memory_space<hbm>>) dst(%arg10 : memref<128x128xf32, #tpu.memory_space<vmem>>)
      "tpu.region"() ({
        %run_scoped3A = tpu.sem_alloc : memref<!tpu.dma_semaphore, #tpu.memory_space<semaphore_mem>>
        %dma_start3A_50 = arith.constant 0 : i32
        %dma_start3A_51 = arith.constant 0 : i32
        %dma_start3A_52 = tpu.memref_slice %arg12[%dma_start3A_50, %dma_start3A_51] : memref<10240x128xf32, #tpu.memory_space<vmem_shared>> -> memref<10240x128xf32, #tpu.memory_space<vmem_shared>>
        tpu.enqueue_indirect_dma source(%arg10 : memref<128x128xf32, #tpu.memory_space<vmem>>) target(%dma_start3A_52 : memref<10240x128xf32, #tpu.memory_space<vmem_shared>>) offsets(%arg9 : memref<128xi32, #tpu.memory_space<vmem>>) semaphore(%run_scoped3A : memref<!tpu.dma_semaphore, #tpu.memory_space<semaphore_mem>>) {add = true}
        %dma_wait3A_53 = arith.constant 0 : i32
        %dma_wait3A_54 = arith.constant 0 : i32
        %dma_wait3A_55 = tpu.memref_slice %arg12[%dma_wait3A_53, %dma_wait3A_54] : memref<10240x128xf32, #tpu.memory_space<vmem_shared>> -> memref<10240x128xf32, #tpu.memory_space<vmem_shared>>
        tpu.wait_indirect_dma semaphore(%run_scoped3A : memref<!tpu.dma_semaphore, #tpu.memory_space<semaphore_mem>>) src(%arg10 : memref<128x128xf32, #tpu.memory_space<vmem>>) dst(%dma_wait3A_55 : memref<10240x128xf32, #tpu.memory_space<vmem_shared>>)
        tpu.yield
      }) : () -> ()
      %get3A = arith.constant 0 : index
      %get3A_35 = tpu.vector_load %arg9[%get3A] {strides = array<i32>} : memref<128xi32, #tpu.memory_space<vmem>>, vector<16xi32>,
      tpu.vector_store_idx %arg13[%get3A_35], %broadcast_in_dim3A_5 {add = true} : memref<10240xf32, #tpu.memory_space<vmem>>[vector<16xi32>], vector<16xf32>,
      %get3A_36 = arith.constant 16 : index
      %get3A_37 = tpu.vector_load %arg9[%get3A_36] {strides = array<i32>} : memref<128xi32, #tpu.memory_space<vmem>>, vector<16xi32>,
      tpu.vector_store_idx %arg13[%get3A_37], %broadcast_in_dim3A_5 {add = true} : memref<10240xf32, #tpu.memory_space<vmem>>[vector<16xi32>], vector<16xf32>,
      %get3A_38 = arith.constant 32 : index
      %get3A_39 = tpu.vector_load %arg9[%get3A_38] {strides = array<i32>} : memref<128xi32, #tpu.memory_space<vmem>>, vector<16xi32>,
      tpu.vector_store_idx %arg13[%get3A_39], %broadcast_in_dim3A_5 {add = true} : memref<10240xf32, #tpu.memory_space<vmem>>[vector<16xi32>], vector<16xf32>,
      %get3A_40 = arith.constant 48 : index
      %get3A_41 = tpu.vector_load %arg9[%get3A_40] {strides = array<i32>} : memref<128xi32, #tpu.memory_space<vmem>>, vector<16xi32>,
      tpu.vector_store_idx %arg13[%get3A_41], %broadcast_in_dim3A_5 {add = true} : memref<10240xf32, #tpu.memory_space<vmem>>[vector<16xi32>], vector<16xf32>,
      %get3A_42 = arith.constant 64 : index
      %get3A_43 = tpu.vector_load %arg9[%get3A_42] {strides = array<i32>} : memref<128xi32, #tpu.memory_space<vmem>>, vector<16xi32>,
      tpu.vector_store_idx %arg13[%get3A_43], %broadcast_in_dim3A_5 {add = true} : memref<10240xf32, #tpu.memory_space<vmem>>[vector<16xi32>], vector<16xf32>,
      %get3A_44 = arith.constant 80 : index
      %get3A_45 = tpu.vector_load %arg9[%get3A_44] {strides = array<i32>} : memref<128xi32, #tpu.memory_space<vmem>>, vector<16xi32>,
      tpu.vector_store_idx %arg13[%get3A_45], %broadcast_in_dim3A_5 {add = true} : memref<10240xf32, #tpu.memory_space<vmem>>[vector<16xi32>], vector<16xf32>,
      %get3A_46 = arith.constant 96 : index
      %get3A_47 = tpu.vector_load %arg9[%get3A_46] {strides = array<i32>} : memref<128xi32, #tpu.memory_space<vmem>>, vector<16xi32>,
      tpu.vector_store_idx %arg13[%get3A_47], %broadcast_in_dim3A_5 {add = true} : memref<10240xf32, #tpu.memory_space<vmem>>[vector<16xi32>], vector<16xf32>,
      %get3A_48 = arith.constant 112 : index
      %get3A_49 = tpu.vector_load %arg9[%get3A_48] {strides = array<i32>} : memref<128xi32, #tpu.memory_space<vmem>>, vector<16xi32>,
      tpu.vector_store_idx %arg13[%get3A_49], %broadcast_in_dim3A_5 {add = true} : memref<10240xf32, #tpu.memory_space<vmem>>[vector<16xi32>], vector<16xf32>,
    }
    %while3A_23 = arith.constant 1 : i32
    scf.for %while3A_25 = %while3A_21 to %while3A_17 step %while3A_23  : i32 {
      %mul3A_26 = arith.constant 32 : i32
      %mul3A_27 = arith.muli %while3A_25, %mul3A_26 : i32
      %add3A_28 = arith.addi %add3A, %mul3A_27 : i32
      %mul3A_29 = arith.constant 128 : i32
      %mul3A_30 = arith.muli %add3A_28, %mul3A_29 : i32
      "tpu.region"() ({
        %run_scoped3A = tpu.sem_alloc : memref<!tpu.dma_semaphore, #tpu.memory_space<semaphore_mem>>
        %dma_start3A_50 = tpu.memref_slice %arg3[%mul3A_30] : memref<320000xi32, #tpu.memory_space<hbm>> -> memref<128xi32, #tpu.memory_space<hbm>>
        %dma_start3A_51 = tpu.memref_slice %arg3[%mul3A_30] : memref<320000xi32, #tpu.memory_space<hbm>> -> memref<128xi32, #tpu.memory_space<hbm>>
        tpu.enqueue_dma source(%dma_start3A_51 : memref<128xi32, #tpu.memory_space<hbm>>) target(%arg8 : memref<128xi32, #tpu.memory_space<vmem>>) target_semaphore(%run_scoped3A : memref<!tpu.dma_semaphore, #tpu.memory_space<semaphore_mem>>)
        %dma_wait3A_52 = tpu.memref_slice %arg3[%mul3A_30] : memref<320000xi32, #tpu.memory_space<hbm>> -> memref<128xi32, #tpu.memory_space<hbm>>
        %dma_wait3A_53 = tpu.memref_slice %arg3[%mul3A_30] : memref<320000xi32, #tpu.memory_space<hbm>> -> memref<128xi32, #tpu.memory_space<hbm>>
        tpu.wait_dma2 semaphore(%run_scoped3A : memref<!tpu.dma_semaphore, #tpu.memory_space<semaphore_mem>>) src(%dma_wait3A_53 : memref<128xi32, #tpu.memory_space<hbm>>) dst(%arg8 : memref<128xi32, #tpu.memory_space<vmem>>)
        tpu.yield
      }) : () -> ()
      "tpu.region"() ({
        %run_scoped3A = tpu.sem_alloc : memref<!tpu.dma_semaphore, #tpu.memory_space<semaphore_mem>>
        %dma_start3A_50 = tpu.memref_slice %arg4[%mul3A_30] : memref<320000xi32, #tpu.memory_space<hbm>> -> memref<128xi32, #tpu.memory_space<hbm>>
        %dma_start3A_51 = tpu.memref_slice %arg4[%mul3A_30] : memref<320000xi32, #tpu.memory_space<hbm>> -> memref<128xi32, #tpu.memory_space<hbm>>
        tpu.enqueue_dma source(%dma_start3A_51 : memref<128xi32, #tpu.memory_space<hbm>>) target(%arg9 : memref<128xi32, #tpu.memory_space<vmem>>) target_semaphore(%run_scoped3A : memref<!tpu.dma_semaphore, #tpu.memory_space<semaphore_mem>>)
        %dma_wait3A_52 = tpu.memref_slice %arg4[%mul3A_30] : memref<320000xi32, #tpu.memory_space<hbm>> -> memref<128xi32, #tpu.memory_space<hbm>>
        %dma_wait3A_53 = tpu.memref_slice %arg4[%mul3A_30] : memref<320000xi32, #tpu.memory_space<hbm>> -> memref<128xi32, #tpu.memory_space<hbm>>
        tpu.wait_dma2 semaphore(%run_scoped3A : memref<!tpu.dma_semaphore, #tpu.memory_space<semaphore_mem>>) src(%dma_wait3A_53 : memref<128xi32, #tpu.memory_space<hbm>>) dst(%arg9 : memref<128xi32, #tpu.memory_space<vmem>>)
        tpu.yield
      }) : () -> ()
      %dma_start3A = arith.constant 0 : i32
      %dma_start3A_31 = arith.constant 0 : i32
      %dma_start3A_32 = tpu.memref_slice %arg2[%dma_start3A, %dma_start3A_31] : memref<10240x128xf32, #tpu.memory_space<hbm>> -> memref<10240x128xf32, #tpu.memory_space<hbm>>
      tpu.enqueue_indirect_dma source(%dma_start3A_32 : memref<10240x128xf32, #tpu.memory_space<hbm>>) target(%arg10 : memref<128x128xf32, #tpu.memory_space<vmem>>) offsets(%arg8 : memref<128xi32, #tpu.memory_space<vmem>>) semaphore(%arg11 : memref<!tpu.dma_semaphore, #tpu.memory_space<semaphore_mem>>)
      %dma_wait3A = arith.constant 0 : i32
      %dma_wait3A_33 = arith.constant 0 : i32
      %dma_wait3A_34 = tpu.memref_slice %arg2[%dma_wait3A, %dma_wait3A_33] : memref<10240x128xf32, #tpu.memory_space<hbm>> -> memref<10240x128xf32, #tpu.memory_space<hbm>>
      tpu.wait_indirect_dma semaphore(%arg11 : memref<!tpu.dma_semaphore, #tpu.memory_space<semaphore_mem>>) src(%dma_wait3A_34 : memref<10240x128xf32, #tpu.memory_space<hbm>>) dst(%arg10 : memref<128x128xf32, #tpu.memory_space<vmem>>)
      "tpu.region"() ({
        %run_scoped3A = tpu.sem_alloc : memref<!tpu.dma_semaphore, #tpu.memory_space<semaphore_mem>>
        %dma_start3A_50 = arith.constant 0 : i32
        %dma_start3A_51 = arith.constant 0 : i32
        %dma_start3A_52 = tpu.memref_slice %arg12[%dma_start3A_50, %dma_start3A_51] : memref<10240x128xf32, #tpu.memory_space<vmem_shared>> -> memref<10240x128xf32, #tpu.memory_space<vmem_shared>>
        tpu.enqueue_indirect_dma source(%arg10 : memref<128x128xf32, #tpu.memory_space<vmem>>) target(%dma_start3A_52 : memref<10240x128xf32, #tpu.memory_space<vmem_shared>>) offsets(%arg9 : memref<128xi32, #tpu.memory_space<vmem>>) semaphore(%run_scoped3A : memref<!tpu.dma_semaphore, #tpu.memory_space<semaphore_mem>>) {add = true}
        %dma_wait3A_53 = arith.constant 0 : i32
        %dma_wait3A_54 = arith.constant 0 : i32
        %dma_wait3A_55 = tpu.memref_slice %arg12[%dma_wait3A_53, %dma_wait3A_54] : memref<10240x128xf32, #tpu.memory_space<vmem_shared>> -> memref<10240x128xf32, #tpu.memory_space<vmem_shared>>
        tpu.wait_indirect_dma semaphore(%run_scoped3A : memref<!tpu.dma_semaphore, #tpu.memory_space<semaphore_mem>>) src(%arg10 : memref<128x128xf32, #tpu.memory_space<vmem>>) dst(%dma_wait3A_55 : memref<10240x128xf32, #tpu.memory_space<vmem_shared>>)
        tpu.yield
      }) : () -> ()
      %get3A = arith.constant 0 : index
      %get3A_35 = tpu.vector_load %arg9[%get3A] {strides = array<i32>} : memref<128xi32, #tpu.memory_space<vmem>>, vector<16xi32>,
      tpu.vector_store_idx %arg13[%get3A_35], %broadcast_in_dim3A_5 {add = true} : memref<10240xf32, #tpu.memory_space<vmem>>[vector<16xi32>], vector<16xf32>,
      %get3A_36 = arith.constant 16 : index
      %get3A_37 = tpu.vector_load %arg9[%get3A_36] {strides = array<i32>} : memref<128xi32, #tpu.memory_space<vmem>>, vector<16xi32>,
      tpu.vector_store_idx %arg13[%get3A_37], %broadcast_in_dim3A_5 {add = true} : memref<10240xf32, #tpu.memory_space<vmem>>[vector<16xi32>], vector<16xf32>,
      %get3A_38 = arith.constant 32 : index
      %get3A_39 = tpu.vector_load %arg9[%get3A_38] {strides = array<i32>} : memref<128xi32, #tpu.memory_space<vmem>>, vector<16xi32>,
      tpu.vector_store_idx %arg13[%get3A_39], %broadcast_in_dim3A_5 {add = true} : memref<10240xf32, #tpu.memory_space<vmem>>[vector<16xi32>], vector<16xf32>,
      %get3A_40 = arith.constant 48 : index
      %get3A_41 = tpu.vector_load %arg9[%get3A_40] {strides = array<i32>} : memref<128xi32, #tpu.memory_space<vmem>>, vector<16xi32>,
      tpu.vector_store_idx %arg13[%get3A_41], %broadcast_in_dim3A_5 {add = true} : memref<10240xf32, #tpu.memory_space<vmem>>[vector<16xi32>], vector<16xf32>,
      %get3A_42 = arith.constant 64 : index
      %get3A_43 = tpu.vector_load %arg9[%get3A_42] {strides = array<i32>} : memref<128xi32, #tpu.memory_space<vmem>>, vector<16xi32>,
      tpu.vector_store_idx %arg13[%get3A_43], %broadcast_in_dim3A_5 {add = true} : memref<10240xf32, #tpu.memory_space<vmem>>[vector<16xi32>], vector<16xf32>,
      %get3A_44 = arith.constant 80 : index
      %get3A_45 = tpu.vector_load %arg9[%get3A_44] {strides = array<i32>} : memref<128xi32, #tpu.memory_space<vmem>>, vector<16xi32>,
      tpu.vector_store_idx %arg13[%get3A_45], %broadcast_in_dim3A_5 {add = true} : memref<10240xf32, #tpu.memory_space<vmem>>[vector<16xi32>], vector<16xf32>,
      %get3A_46 = arith.constant 96 : index
      %get3A_47 = tpu.vector_load %arg9[%get3A_46] {strides = array<i32>} : memref<128xi32, #tpu.memory_space<vmem>>, vector<16xi32>,
      tpu.vector_store_idx %arg13[%get3A_47], %broadcast_in_dim3A_5 {add = true} : memref<10240xf32, #tpu.memory_space<vmem>>[vector<16xi32>], vector<16xf32>,
      %get3A_48 = arith.constant 112 : index
      %get3A_49 = tpu.vector_load %arg9[%get3A_48] {strides = array<i32>} : memref<128xi32, #tpu.memory_space<vmem>>, vector<16xi32>,
      tpu.vector_store_idx %arg13[%get3A_49], %broadcast_in_dim3A_5 {add = true} : memref<10240xf32, #tpu.memory_space<vmem>>[vector<16xi32>], vector<16xf32>,
    }
    %barrier3A_24 = arith.constant 0 : index
    tpu.barrier barrier_id(%barrier3A_24)
    "tpu.region"() ({
      %run_scoped3A = tpu.sem_alloc : memref<!tpu.dma_semaphore, #tpu.memory_space<semaphore_mem>>
      %dma_start3A = arith.constant 0 : i32
      %dma_start3A_25 = tpu.memref_slice %arg6[%arg0, %mul3A_2, %dma_start3A] : memref<2x10240x128xf32, #tpu.memory_space<hbm>> -> memref<1x640x128xf32, #tpu.memory_space<hbm>>
      %dma_start3A_26 = tpu.memref_squeeze %dma_start3A_25 : memref<1x640x128xf32, #tpu.memory_space<hbm>> -> memref<640x128xf32, #tpu.memory_space<hbm>>
      %dma_start3A_27 = arith.constant 0 : i32
      %dma_start3A_28 = tpu.memref_slice %arg12[%mul3A_2, %dma_start3A_27] : memref<10240x128xf32, #tpu.memory_space<vmem_shared>> -> memref<640x128xf32, #tpu.memory_space<vmem_shared>>
      tpu.enqueue_dma source(%dma_start3A_28 : memref<640x128xf32, #tpu.memory_space<vmem_shared>>) target(%dma_start3A_26 : memref<640x128xf32, #tpu.memory_space<hbm>>) target_semaphore(%run_scoped3A : memref<!tpu.dma_semaphore, #tpu.memory_space<semaphore_mem>>)
      %dma_wait3A = arith.constant 0 : i32
      %dma_wait3A_29 = tpu.memref_slice %arg6[%arg0, %mul3A_2, %dma_wait3A] : memref<2x10240x128xf32, #tpu.memory_space<hbm>> -> memref<1x640x128xf32, #tpu.memory_space<hbm>>
      %dma_wait3A_30 = tpu.memref_squeeze %dma_wait3A_29 : memref<1x640x128xf32, #tpu.memory_space<hbm>> -> memref<640x128xf32, #tpu.memory_space<hbm>>
      %dma_wait3A_31 = arith.constant 0 : i32
      %dma_wait3A_32 = tpu.memref_slice %arg12[%mul3A_2, %dma_wait3A_31] : memref<10240x128xf32, #tpu.memory_space<vmem_shared>> -> memref<640x128xf32, #tpu.memory_space<vmem_shared>>
      tpu.wait_dma2 semaphore(%run_scoped3A : memref<!tpu.dma_semaphore, #tpu.memory_space<semaphore_mem>>) src(%dma_wait3A_32 : memref<640x128xf32, #tpu.memory_space<vmem_shared>>) dst(%dma_wait3A_30 : memref<640x128xf32, #tpu.memory_space<hbm>>)
      tpu.yield
    }) : () -> ()
    "tpu.region"() ({
      %run_scoped3A = tpu.sem_alloc : memref<!tpu.dma_semaphore, #tpu.memory_space<semaphore_mem>>
      %dma_start3A = arith.constant 0 : i32
      %dma_start3A_25 = tpu.memref_slice %arg7[%add3A, %dma_start3A] : memref<32x10240xf32, #tpu.memory_space<hbm>> -> memref<1x10240xf32, #tpu.memory_space<hbm>>
      %dma_start3A_26 = tpu.memref_squeeze %dma_start3A_25 : memref<1x10240xf32, #tpu.memory_space<hbm>> -> memref<10240xf32, #tpu.memory_space<hbm>>
      %dma_start3A_27 = arith.constant 0 : i32
      %dma_start3A_28 = tpu.memref_slice %arg7[%add3A, %dma_start3A_27] : memref<32x10240xf32, #tpu.memory_space<hbm>> -> memref<1x10240xf32, #tpu.memory_space<hbm>>
      %dma_start3A_29 = tpu.memref_squeeze %dma_start3A_28 : memref<1x10240xf32, #tpu.memory_space<hbm>> -> memref<10240xf32, #tpu.memory_space<hbm>>
      tpu.enqueue_dma source(%arg13 : memref<10240xf32, #tpu.memory_space<vmem>>) target(%dma_start3A_29 : memref<10240xf32, #tpu.memory_space<hbm>>) target_semaphore(%run_scoped3A : memref<!tpu.dma_semaphore, #tpu.memory_space<semaphore_mem>>)
      %dma_wait3A = arith.constant 0 : i32
      %dma_wait3A_30 = tpu.memref_slice %arg7[%add3A, %dma_wait3A] : memref<32x10240xf32, #tpu.memory_space<hbm>> -> memref<1x10240xf32, #tpu.memory_space<hbm>>
      %dma_wait3A_31 = tpu.memref_squeeze %dma_wait3A_30 : memref<1x10240xf32, #tpu.memory_space<hbm>> -> memref<10240xf32, #tpu.memory_space<hbm>>
      %dma_wait3A_32 = arith.constant 0 : i32
      %dma_wait3A_33 = tpu.memref_slice %arg7[%add3A, %dma_wait3A_32] : memref<32x10240xf32, #tpu.memory_space<hbm>> -> memref<1x10240xf32, #tpu.memory_space<hbm>>
      %dma_wait3A_34 = tpu.memref_squeeze %dma_wait3A_33 : memref<1x10240xf32, #tpu.memory_space<hbm>> -> memref<10240xf32, #tpu.memory_space<hbm>>
      tpu.wait_dma2 semaphore(%run_scoped3A : memref<!tpu.dma_semaphore, #tpu.memory_space<semaphore_mem>>) src(%arg13 : memref<10240xf32, #tpu.memory_space<vmem>>) dst(%dma_wait3A_34 : memref<10240xf32, #tpu.memory_space<hbm>>)
      tpu.yield
    }) : () -> ()
    return
  }
}

#map = affine_map<(d0, d1) -> (0, 0)>
#map1 = affine_map<(d0, d1) -> (0)>
#map2 = affine_map<(d0, d1) -> (0, 0, 0)>
module attributes {stable_mosaic.version = 14 : i64} {
  func.func @_sc_agg_body(%arg0: i32, %arg1: i32, %arg2: memref<10240x128xf32, #tpu.memory_space<hbm>>, %arg3: memref<320000xi32, #tpu.memory_space<hbm>>, %arg4: memref<320000xi32, #tpu.memory_space<hbm>>, %arg5: memref<640x128xf32, #tpu.memory_space<hbm>>, %arg6: memref<2x10240x128xf32, #tpu.memory_space<hbm>>, %arg7: memref<128xi32, #tpu.memory_space<vmem>>, %arg8: memref<128xi32, #tpu.memory_space<vmem>>, %arg9: memref<128x128xf32, #tpu.memory_space<vmem>>, %arg10: memref<!tpu.dma_semaphore, #tpu.memory_space<semaphore_mem>>, %arg11: memref<10240x128xf32, #tpu.memory_space<vmem_shared>>) attributes {dimension_semantics = [#tpu.dimension_semantics<core_parallel>, #tpu.dimension_semantics<subcore_parallel>], iteration_bounds = array<i64: 2, 16>, scalar_prefetch = 0 : i64, scratch_operands = 5 : i64, tpu.core_type = #tpu.core_type<sc_vector_subcore>, window_params = [{transform_indices = #map}, {transform_indices = #map1}, {transform_indices = #map1}, {transform_indices = #map}, {transform_indices = #map2}]} {
    %mul3A = arith.constant 2 : i32
    %mul3A_0 = arith.muli %arg1, %mul3A : i32
    %add3A = arith.addi %mul3A_0, %arg0 : i32
    %mul3A_1 = arith.constant 640 : i32
    %mul3A_2 = arith.muli %arg1, %mul3A_1 : i32
    "tpu.region"() ({
      %run_scoped3A = tpu.sem_alloc : memref<!tpu.dma_semaphore, #tpu.memory_space<semaphore_mem>>
      %dma_start3A = arith.constant 0 : i32
      %dma_start3A_17 = tpu.memref_slice %arg11[%mul3A_2, %dma_start3A] : memref<10240x128xf32, #tpu.memory_space<vmem_shared>> -> memref<640x128xf32, #tpu.memory_space<vmem_shared>>
      tpu.enqueue_dma source(%arg5 : memref<640x128xf32, #tpu.memory_space<hbm>>) target(%dma_start3A_17 : memref<640x128xf32, #tpu.memory_space<vmem_shared>>) target_semaphore(%run_scoped3A : memref<!tpu.dma_semaphore, #tpu.memory_space<semaphore_mem>>)
      %dma_wait3A = arith.constant 0 : i32
      %dma_wait3A_18 = tpu.memref_slice %arg11[%mul3A_2, %dma_wait3A] : memref<10240x128xf32, #tpu.memory_space<vmem_shared>> -> memref<640x128xf32, #tpu.memory_space<vmem_shared>>
      tpu.wait_dma2 semaphore(%run_scoped3A : memref<!tpu.dma_semaphore, #tpu.memory_space<semaphore_mem>>) src(%arg5 : memref<640x128xf32, #tpu.memory_space<hbm>>) dst(%dma_wait3A_18 : memref<640x128xf32, #tpu.memory_space<vmem_shared>>)
      tpu.yield
    }) : () -> ()
    %barrier3A = arith.constant 0 : index
    tpu.barrier barrier_id(%barrier3A)
    %lt3A = arith.constant 4 : i32
    %lt3A_3 = arith.cmpi slt, %add3A, %lt3A : i32
    %jit3A = arith.constant 1 : i32
    %jit3A_4 = arith.constant 0 : i32
    %select_n3A = arith.select %lt3A_3, %jit3A, %jit3A_4 : i32
    %add3A_5 = arith.constant 78 : i32
    %add3A_6 = arith.addi %add3A_5, %select_n3A : i32
    %while3A = arith.constant 0 : i32
    %while3A_7 = arith.constant 0 : i32
    %while3A_8 = arith.subi %add3A_6, %while3A_7 : i32
    %while3A_9 = arith.addi %while3A_7, %while3A_8 : i32
    %while3A_10 = arith.constant 1 : i32
    %while3A_11 = arith.divsi %while3A_8, %while3A_10 : i32
    %while3A_12 = arith.muli %while3A_11, %while3A_10 : i32
    %while3A_13 = arith.addi %while3A_7, %while3A_12 : i32
    %while3A_14 = arith.constant 1 : i32
    scf.for %while3A_17 = %while3A_7 to %while3A_13 step %while3A_14  : i32 {
      %mul3A_18 = arith.constant 32 : i32
      %mul3A_19 = arith.muli %while3A_17, %mul3A_18 : i32
      %add3A_20 = arith.addi %add3A, %mul3A_19 : i32
      %mul3A_21 = arith.constant 128 : i32
      %mul3A_22 = arith.muli %add3A_20, %mul3A_21 : i32
      "tpu.region"() ({
        %run_scoped3A = tpu.sem_alloc : memref<!tpu.dma_semaphore, #tpu.memory_space<semaphore_mem>>
        %dma_start3A_27 = tpu.memref_slice %arg3[%mul3A_22] : memref<320000xi32, #tpu.memory_space<hbm>> -> memref<128xi32, #tpu.memory_space<hbm>>
        %dma_start3A_28 = tpu.memref_slice %arg3[%mul3A_22] : memref<320000xi32, #tpu.memory_space<hbm>> -> memref<128xi32, #tpu.memory_space<hbm>>
        tpu.enqueue_dma source(%dma_start3A_28 : memref<128xi32, #tpu.memory_space<hbm>>) target(%arg7 : memref<128xi32, #tpu.memory_space<vmem>>) target_semaphore(%run_scoped3A : memref<!tpu.dma_semaphore, #tpu.memory_space<semaphore_mem>>)
        %dma_wait3A_29 = tpu.memref_slice %arg3[%mul3A_22] : memref<320000xi32, #tpu.memory_space<hbm>> -> memref<128xi32, #tpu.memory_space<hbm>>
        %dma_wait3A_30 = tpu.memref_slice %arg3[%mul3A_22] : memref<320000xi32, #tpu.memory_space<hbm>> -> memref<128xi32, #tpu.memory_space<hbm>>
        tpu.wait_dma2 semaphore(%run_scoped3A : memref<!tpu.dma_semaphore, #tpu.memory_space<semaphore_mem>>) src(%dma_wait3A_30 : memref<128xi32, #tpu.memory_space<hbm>>) dst(%arg7 : memref<128xi32, #tpu.memory_space<vmem>>)
        tpu.yield
      }) : () -> ()
      "tpu.region"() ({
        %run_scoped3A = tpu.sem_alloc : memref<!tpu.dma_semaphore, #tpu.memory_space<semaphore_mem>>
        %dma_start3A_27 = tpu.memref_slice %arg4[%mul3A_22] : memref<320000xi32, #tpu.memory_space<hbm>> -> memref<128xi32, #tpu.memory_space<hbm>>
        %dma_start3A_28 = tpu.memref_slice %arg4[%mul3A_22] : memref<320000xi32, #tpu.memory_space<hbm>> -> memref<128xi32, #tpu.memory_space<hbm>>
        tpu.enqueue_dma source(%dma_start3A_28 : memref<128xi32, #tpu.memory_space<hbm>>) target(%arg8 : memref<128xi32, #tpu.memory_space<vmem>>) target_semaphore(%run_scoped3A : memref<!tpu.dma_semaphore, #tpu.memory_space<semaphore_mem>>)
        %dma_wait3A_29 = tpu.memref_slice %arg4[%mul3A_22] : memref<320000xi32, #tpu.memory_space<hbm>> -> memref<128xi32, #tpu.memory_space<hbm>>
        %dma_wait3A_30 = tpu.memref_slice %arg4[%mul3A_22] : memref<320000xi32, #tpu.memory_space<hbm>> -> memref<128xi32, #tpu.memory_space<hbm>>
        tpu.wait_dma2 semaphore(%run_scoped3A : memref<!tpu.dma_semaphore, #tpu.memory_space<semaphore_mem>>) src(%dma_wait3A_30 : memref<128xi32, #tpu.memory_space<hbm>>) dst(%arg8 : memref<128xi32, #tpu.memory_space<vmem>>)
        tpu.yield
      }) : () -> ()
      %dma_start3A = arith.constant 0 : i32
      %dma_start3A_23 = arith.constant 0 : i32
      %dma_start3A_24 = tpu.memref_slice %arg2[%dma_start3A, %dma_start3A_23] : memref<10240x128xf32, #tpu.memory_space<hbm>> -> memref<10240x128xf32, #tpu.memory_space<hbm>>
      tpu.enqueue_indirect_dma source(%dma_start3A_24 : memref<10240x128xf32, #tpu.memory_space<hbm>>) target(%arg9 : memref<128x128xf32, #tpu.memory_space<vmem>>) offsets(%arg7 : memref<128xi32, #tpu.memory_space<vmem>>) semaphore(%arg10 : memref<!tpu.dma_semaphore, #tpu.memory_space<semaphore_mem>>)
      %dma_wait3A = arith.constant 0 : i32
      %dma_wait3A_25 = arith.constant 0 : i32
      %dma_wait3A_26 = tpu.memref_slice %arg2[%dma_wait3A, %dma_wait3A_25] : memref<10240x128xf32, #tpu.memory_space<hbm>> -> memref<10240x128xf32, #tpu.memory_space<hbm>>
      tpu.wait_indirect_dma semaphore(%arg10 : memref<!tpu.dma_semaphore, #tpu.memory_space<semaphore_mem>>) src(%dma_wait3A_26 : memref<10240x128xf32, #tpu.memory_space<hbm>>) dst(%arg9 : memref<128x128xf32, #tpu.memory_space<vmem>>)
      "tpu.region"() ({
        %run_scoped3A = tpu.sem_alloc : memref<!tpu.dma_semaphore, #tpu.memory_space<semaphore_mem>>
        %dma_start3A_27 = arith.constant 0 : i32
        %dma_start3A_28 = arith.constant 0 : i32
        %dma_start3A_29 = tpu.memref_slice %arg11[%dma_start3A_27, %dma_start3A_28] : memref<10240x128xf32, #tpu.memory_space<vmem_shared>> -> memref<10240x128xf32, #tpu.memory_space<vmem_shared>>
        tpu.enqueue_indirect_dma source(%arg9 : memref<128x128xf32, #tpu.memory_space<vmem>>) target(%dma_start3A_29 : memref<10240x128xf32, #tpu.memory_space<vmem_shared>>) offsets(%arg8 : memref<128xi32, #tpu.memory_space<vmem>>) semaphore(%run_scoped3A : memref<!tpu.dma_semaphore, #tpu.memory_space<semaphore_mem>>) {add = true}
        %dma_wait3A_30 = arith.constant 0 : i32
        %dma_wait3A_31 = arith.constant 0 : i32
        %dma_wait3A_32 = tpu.memref_slice %arg11[%dma_wait3A_30, %dma_wait3A_31] : memref<10240x128xf32, #tpu.memory_space<vmem_shared>> -> memref<10240x128xf32, #tpu.memory_space<vmem_shared>>
        tpu.wait_indirect_dma semaphore(%run_scoped3A : memref<!tpu.dma_semaphore, #tpu.memory_space<semaphore_mem>>) src(%arg9 : memref<128x128xf32, #tpu.memory_space<vmem>>) dst(%dma_wait3A_32 : memref<10240x128xf32, #tpu.memory_space<vmem_shared>>)
        tpu.yield
      }) : () -> ()
    }
    %while3A_15 = arith.constant 1 : i32
    scf.for %while3A_17 = %while3A_13 to %while3A_9 step %while3A_15  : i32 {
      %mul3A_18 = arith.constant 32 : i32
      %mul3A_19 = arith.muli %while3A_17, %mul3A_18 : i32
      %add3A_20 = arith.addi %add3A, %mul3A_19 : i32
      %mul3A_21 = arith.constant 128 : i32
      %mul3A_22 = arith.muli %add3A_20, %mul3A_21 : i32
      "tpu.region"() ({
        %run_scoped3A = tpu.sem_alloc : memref<!tpu.dma_semaphore, #tpu.memory_space<semaphore_mem>>
        %dma_start3A_27 = tpu.memref_slice %arg3[%mul3A_22] : memref<320000xi32, #tpu.memory_space<hbm>> -> memref<128xi32, #tpu.memory_space<hbm>>
        %dma_start3A_28 = tpu.memref_slice %arg3[%mul3A_22] : memref<320000xi32, #tpu.memory_space<hbm>> -> memref<128xi32, #tpu.memory_space<hbm>>
        tpu.enqueue_dma source(%dma_start3A_28 : memref<128xi32, #tpu.memory_space<hbm>>) target(%arg7 : memref<128xi32, #tpu.memory_space<vmem>>) target_semaphore(%run_scoped3A : memref<!tpu.dma_semaphore, #tpu.memory_space<semaphore_mem>>)
        %dma_wait3A_29 = tpu.memref_slice %arg3[%mul3A_22] : memref<320000xi32, #tpu.memory_space<hbm>> -> memref<128xi32, #tpu.memory_space<hbm>>
        %dma_wait3A_30 = tpu.memref_slice %arg3[%mul3A_22] : memref<320000xi32, #tpu.memory_space<hbm>> -> memref<128xi32, #tpu.memory_space<hbm>>
        tpu.wait_dma2 semaphore(%run_scoped3A : memref<!tpu.dma_semaphore, #tpu.memory_space<semaphore_mem>>) src(%dma_wait3A_30 : memref<128xi32, #tpu.memory_space<hbm>>) dst(%arg7 : memref<128xi32, #tpu.memory_space<vmem>>)
        tpu.yield
      }) : () -> ()
      "tpu.region"() ({
        %run_scoped3A = tpu.sem_alloc : memref<!tpu.dma_semaphore, #tpu.memory_space<semaphore_mem>>
        %dma_start3A_27 = tpu.memref_slice %arg4[%mul3A_22] : memref<320000xi32, #tpu.memory_space<hbm>> -> memref<128xi32, #tpu.memory_space<hbm>>
        %dma_start3A_28 = tpu.memref_slice %arg4[%mul3A_22] : memref<320000xi32, #tpu.memory_space<hbm>> -> memref<128xi32, #tpu.memory_space<hbm>>
        tpu.enqueue_dma source(%dma_start3A_28 : memref<128xi32, #tpu.memory_space<hbm>>) target(%arg8 : memref<128xi32, #tpu.memory_space<vmem>>) target_semaphore(%run_scoped3A : memref<!tpu.dma_semaphore, #tpu.memory_space<semaphore_mem>>)
        %dma_wait3A_29 = tpu.memref_slice %arg4[%mul3A_22] : memref<320000xi32, #tpu.memory_space<hbm>> -> memref<128xi32, #tpu.memory_space<hbm>>
        %dma_wait3A_30 = tpu.memref_slice %arg4[%mul3A_22] : memref<320000xi32, #tpu.memory_space<hbm>> -> memref<128xi32, #tpu.memory_space<hbm>>
        tpu.wait_dma2 semaphore(%run_scoped3A : memref<!tpu.dma_semaphore, #tpu.memory_space<semaphore_mem>>) src(%dma_wait3A_30 : memref<128xi32, #tpu.memory_space<hbm>>) dst(%arg8 : memref<128xi32, #tpu.memory_space<vmem>>)
        tpu.yield
      }) : () -> ()
      %dma_start3A = arith.constant 0 : i32
      %dma_start3A_23 = arith.constant 0 : i32
      %dma_start3A_24 = tpu.memref_slice %arg2[%dma_start3A, %dma_start3A_23] : memref<10240x128xf32, #tpu.memory_space<hbm>> -> memref<10240x128xf32, #tpu.memory_space<hbm>>
      tpu.enqueue_indirect_dma source(%dma_start3A_24 : memref<10240x128xf32, #tpu.memory_space<hbm>>) target(%arg9 : memref<128x128xf32, #tpu.memory_space<vmem>>) offsets(%arg7 : memref<128xi32, #tpu.memory_space<vmem>>) semaphore(%arg10 : memref<!tpu.dma_semaphore, #tpu.memory_space<semaphore_mem>>)
      %dma_wait3A = arith.constant 0 : i32
      %dma_wait3A_25 = arith.constant 0 : i32
      %dma_wait3A_26 = tpu.memref_slice %arg2[%dma_wait3A, %dma_wait3A_25] : memref<10240x128xf32, #tpu.memory_space<hbm>> -> memref<10240x128xf32, #tpu.memory_space<hbm>>
      tpu.wait_indirect_dma semaphore(%arg10 : memref<!tpu.dma_semaphore, #tpu.memory_space<semaphore_mem>>) src(%dma_wait3A_26 : memref<10240x128xf32, #tpu.memory_space<hbm>>) dst(%arg9 : memref<128x128xf32, #tpu.memory_space<vmem>>)
      "tpu.region"() ({
        %run_scoped3A = tpu.sem_alloc : memref<!tpu.dma_semaphore, #tpu.memory_space<semaphore_mem>>
        %dma_start3A_27 = arith.constant 0 : i32
        %dma_start3A_28 = arith.constant 0 : i32
        %dma_start3A_29 = tpu.memref_slice %arg11[%dma_start3A_27, %dma_start3A_28] : memref<10240x128xf32, #tpu.memory_space<vmem_shared>> -> memref<10240x128xf32, #tpu.memory_space<vmem_shared>>
        tpu.enqueue_indirect_dma source(%arg9 : memref<128x128xf32, #tpu.memory_space<vmem>>) target(%dma_start3A_29 : memref<10240x128xf32, #tpu.memory_space<vmem_shared>>) offsets(%arg8 : memref<128xi32, #tpu.memory_space<vmem>>) semaphore(%run_scoped3A : memref<!tpu.dma_semaphore, #tpu.memory_space<semaphore_mem>>) {add = true}
        %dma_wait3A_30 = arith.constant 0 : i32
        %dma_wait3A_31 = arith.constant 0 : i32
        %dma_wait3A_32 = tpu.memref_slice %arg11[%dma_wait3A_30, %dma_wait3A_31] : memref<10240x128xf32, #tpu.memory_space<vmem_shared>> -> memref<10240x128xf32, #tpu.memory_space<vmem_shared>>
        tpu.wait_indirect_dma semaphore(%run_scoped3A : memref<!tpu.dma_semaphore, #tpu.memory_space<semaphore_mem>>) src(%arg9 : memref<128x128xf32, #tpu.memory_space<vmem>>) dst(%dma_wait3A_32 : memref<10240x128xf32, #tpu.memory_space<vmem_shared>>)
        tpu.yield
      }) : () -> ()
    }
    %barrier3A_16 = arith.constant 0 : index
    tpu.barrier barrier_id(%barrier3A_16)
    "tpu.region"() ({
      %run_scoped3A = tpu.sem_alloc : memref<!tpu.dma_semaphore, #tpu.memory_space<semaphore_mem>>
      %dma_start3A = arith.constant 0 : i32
      %dma_start3A_17 = tpu.memref_slice %arg6[%arg0, %mul3A_2, %dma_start3A] : memref<2x10240x128xf32, #tpu.memory_space<hbm>> -> memref<1x640x128xf32, #tpu.memory_space<hbm>>
      %dma_start3A_18 = tpu.memref_squeeze %dma_start3A_17 : memref<1x640x128xf32, #tpu.memory_space<hbm>> -> memref<640x128xf32, #tpu.memory_space<hbm>>
      %dma_start3A_19 = arith.constant 0 : i32
      %dma_start3A_20 = tpu.memref_slice %arg11[%mul3A_2, %dma_start3A_19] : memref<10240x128xf32, #tpu.memory_space<vmem_shared>> -> memref<640x128xf32, #tpu.memory_space<vmem_shared>>
      tpu.enqueue_dma source(%dma_start3A_20 : memref<640x128xf32, #tpu.memory_space<vmem_shared>>) target(%dma_start3A_18 : memref<640x128xf32, #tpu.memory_space<hbm>>) target_semaphore(%run_scoped3A : memref<!tpu.dma_semaphore, #tpu.memory_space<semaphore_mem>>)
      %dma_wait3A = arith.constant 0 : i32
      %dma_wait3A_21 = tpu.memref_slice %arg6[%arg0, %mul3A_2, %dma_wait3A] : memref<2x10240x128xf32, #tpu.memory_space<hbm>> -> memref<1x640x128xf32, #tpu.memory_space<hbm>>
      %dma_wait3A_22 = tpu.memref_squeeze %dma_wait3A_21 : memref<1x640x128xf32, #tpu.memory_space<hbm>> -> memref<640x128xf32, #tpu.memory_space<hbm>>
      %dma_wait3A_23 = arith.constant 0 : i32
      %dma_wait3A_24 = tpu.memref_slice %arg11[%mul3A_2, %dma_wait3A_23] : memref<10240x128xf32, #tpu.memory_space<vmem_shared>> -> memref<640x128xf32, #tpu.memory_space<vmem_shared>>
      tpu.wait_dma2 semaphore(%run_scoped3A : memref<!tpu.dma_semaphore, #tpu.memory_space<semaphore_mem>>) src(%dma_wait3A_24 : memref<640x128xf32, #tpu.memory_space<vmem_shared>>) dst(%dma_wait3A_22 : memref<640x128xf32, #tpu.memory_space<hbm>>)
      tpu.yield
    }) : () -> ()
    return
  }
}

module attributes {stable_mosaic.version = 14 : i64} {
  func.func @_tc_layer_body(%arg0: i32, %arg1: memref<2x2048x128xf32, #tpu.memory_space<vmem>>, %arg2: memref<32x2048xf32, #tpu.memory_space<vmem>>, %arg3: memref<2048x128xf32, #tpu.memory_space<vmem>>, %arg4: memref<128x128xf32, #tpu.memory_space<vmem>>, %arg5: memref<128x128xf32, #tpu.memory_space<vmem>>, %arg6: memref<1x128xf32, #tpu.memory_space<vmem>>, %arg7: memref<2048x128xf32, #tpu.memory_space<vmem>>) attributes {dimension_semantics = [#tpu.dimension_semantics<arbitrary>], iteration_bounds = array<i64: 5>, scalar_prefetch = 0 : i64, scratch_operands = 0 : i64, tpu.core_type = #tpu.core_type<tc>, window_params = [{transform_indices = @transform_0, window_bounds = array<i64: 2, 2048, 128>}, {transform_indices = @transform_1, window_bounds = array<i64: 32, 2048>}, {transform_indices = @transform_2, window_bounds = array<i64: 2048, 128>}, {pipeline_mode = #tpu.pipeline_mode<synchronous>, transform_indices = @transform_3, window_bounds = array<i64: 128, 128>}, {pipeline_mode = #tpu.pipeline_mode<synchronous>, transform_indices = @transform_4, window_bounds = array<i64: 128, 128>}, {pipeline_mode = #tpu.pipeline_mode<synchronous>, transform_indices = @transform_5, window_bounds = array<i64: 1, 128>}, {transform_indices = @transform_6, window_bounds = array<i64: 2048, 128>}]} {
    %get3A = arith.constant 0 : index
    %get3A_0 = arith.constant 0 : index
    %get3A_1 = arith.constant 0 : index
    %get3A_2 = vector.load %arg1[%get3A, %get3A_0, %get3A_1] : memref<2x2048x128xf32, #tpu.memory_space<vmem>>, vector<1x2048x128xf32>
    %get3A_3 = vector.shape_cast %get3A_2 : vector<1x2048x128xf32> to vector<2048x128xf32>
    %get3A_4 = arith.constant 1 : index
    %get3A_5 = arith.constant 0 : index
    %get3A_6 = arith.constant 0 : index
    %get3A_7 = vector.load %arg1[%get3A_4, %get3A_5, %get3A_6] : memref<2x2048x128xf32, #tpu.memory_space<vmem>>, vector<1x2048x128xf32>
    %get3A_8 = vector.shape_cast %get3A_7 : vector<1x2048x128xf32> to vector<2048x128xf32>
    %add3A = arith.addf %get3A_3, %get3A_8 : vector<2048x128xf32>
    %get3A_9 = arith.constant 0 : index
    %get3A_10 = arith.constant 0 : index
    %get3A_11 = vector.load %arg2[%get3A_9, %get3A_10] : memref<32x2048xf32, #tpu.memory_space<vmem>>, vector<32x2048xf32>
    %reduce_sum3A = arith.constant dense<0.000000e+00> : vector<2048xf32>
    %reduce_sum3A_12 = vector.multi_reduction <add>, %get3A_11, %reduce_sum3A [0] : vector<32x2048xf32> to vector<2048xf32>
    %max3A = arith.constant 1.000000e+00 : f32
    %max3A_13 = vector.broadcast %max3A : f32 to vector<2048xf32>
    %max3A_14 = arith.maximumf %reduce_sum3A_12, %max3A_13 : vector<2048xf32>
    %broadcast_in_dim3A = vector.shape_cast %max3A_14 : vector<2048xf32> to vector<2048x1xf32>
    %div3A = vector.broadcast %broadcast_in_dim3A : vector<2048x1xf32> to vector<2048x128xf32>
    %div3A_15 = arith.divf %add3A, %div3A : vector<2048x128xf32>
    %get3A_16 = arith.constant 0 : index
    %get3A_17 = arith.constant 0 : index
    %get3A_18 = vector.load %arg4[%get3A_16, %get3A_17] : memref<128x128xf32, #tpu.memory_space<vmem>>, vector<128x128xf32>
    %dot_general3A = arith.constant dense<0.000000e+00> : vector<2048x128xf32>
    %dot_general3A_19 = tpu.matmul %div3A_15, %get3A_18, %dot_general3A {dimension_numbers = #tpu.dot_dimension_numbers<[1], [0], [0], [1], [0, 0, 1, 1], [], []>, transpose_lhs_hint = false} : vector<2048x128xf32>, vector<128x128xf32>, vector<2048x128xf32> -> vector<2048x128xf32>
    %get3A_20 = arith.constant 0 : index
    %get3A_21 = arith.constant 0 : index
    %get3A_22 = vector.load %arg3[%get3A_20, %get3A_21] : memref<2048x128xf32, #tpu.memory_space<vmem>>, vector<2048x128xf32>
    %get3A_23 = arith.constant 0 : index
    %get3A_24 = arith.constant 0 : index
    %get3A_25 = vector.load %arg5[%get3A_23, %get3A_24] : memref<128x128xf32, #tpu.memory_space<vmem>>, vector<128x128xf32>
    %dot_general3A_26 = arith.constant dense<0.000000e+00> : vector<2048x128xf32>
    %dot_general3A_27 = tpu.matmul %get3A_22, %get3A_25, %dot_general3A_26 {dimension_numbers = #tpu.dot_dimension_numbers<[1], [0], [0], [1], [0, 0, 1, 1], [], []>, transpose_lhs_hint = false} : vector<2048x128xf32>, vector<128x128xf32>, vector<2048x128xf32> -> vector<2048x128xf32>
    %add3A_28 = arith.addf %dot_general3A_19, %dot_general3A_27 : vector<2048x128xf32>
    %get3A_29 = arith.constant 0 : index
    %get3A_30 = arith.constant 0 : index
    %get3A_31 = vector.load %arg6[%get3A_29, %get3A_30] : memref<1x128xf32, #tpu.memory_space<vmem>>, vector<1x128xf32>
    %add3A_32 = vector.broadcast %get3A_31 : vector<1x128xf32> to vector<2048x128xf32>
    %add3A_33 = arith.addf %add3A_28, %add3A_32 : vector<2048x128xf32>
    %max3A_34 = arith.constant 0.000000e+00 : f32
    %max3A_35 = vector.broadcast %max3A_34 : f32 to vector<2048x128xf32>
    %max3A_36 = arith.maximumf %add3A_33, %max3A_35 : vector<2048x128xf32>
    %swap3A = arith.constant 0 : index
    %swap3A_37 = arith.constant 0 : index
    %swap3A_38 = vector.load %arg7[%swap3A, %swap3A_37] : memref<2048x128xf32, #tpu.memory_space<vmem>>, vector<2048x128xf32>
    tpu.vector_store %arg7[%swap3A, %swap3A_37], %max3A_36 {strides = array<i32>} : memref<2048x128xf32, #tpu.memory_space<vmem>>, vector<2048x128xf32>,
    return
  }
  func.func @transform_0(%arg0: i32) -> (i32, i32, i32) {
    %c0_i32 = arith.constant 0 : i32
    %c0_i32_0 = arith.constant 0 : i32
    %c0_i32_1 = arith.constant 0 : i32
    return %c0_i32, %arg0, %c0_i32_0 : i32, i32, i32
  }
  func.func @transform_1(%arg0: i32) -> (i32, i32) {
    %c0_i32 = arith.constant 0 : i32
    %c0_i32_0 = arith.constant 0 : i32
    return %c0_i32, %arg0 : i32, i32
  }
  func.func @transform_2(%arg0: i32) -> (i32, i32) {
    %c0_i32 = arith.constant 0 : i32
    %c0_i32_0 = arith.constant 0 : i32
    return %arg0, %c0_i32 : i32, i32
  }
  func.func @transform_3(%arg0: i32) -> (i32, i32) {
    %c0_i32 = arith.constant 0 : i32
    %c0_i32_0 = arith.constant 0 : i32
    %c0_i32_1 = arith.constant 0 : i32
    return %c0_i32, %c0_i32_0 : i32, i32
  }
  func.func @transform_4(%arg0: i32) -> (i32, i32) {
    %c0_i32 = arith.constant 0 : i32
    %c0_i32_0 = arith.constant 0 : i32
    %c0_i32_1 = arith.constant 0 : i32
    return %c0_i32, %c0_i32_0 : i32, i32
  }
  func.func @transform_5(%arg0: i32) -> (i32, i32) {
    %c0_i32 = arith.constant 0 : i32
    %c0_i32_0 = arith.constant 0 : i32
    %c0_i32_1 = arith.constant 0 : i32
    return %c0_i32, %c0_i32_0 : i32, i32
  }
  func.func @transform_6(%arg0: i32) -> (i32, i32) {
    %c0_i32 = arith.constant 0 : i32
    %c0_i32_0 = arith.constant 0 : i32
    return %arg0, %c0_i32 : i32, i32
  }
}

module attributes {stable_mosaic.version = 14 : i64} {
  func.func @_tc_layer_body(%arg0: i32, %arg1: memref<2x2048x128xf32, #tpu.memory_space<vmem>>, %arg2: memref<32x2048xf32, #tpu.memory_space<vmem>>, %arg3: memref<2048x128xf32, #tpu.memory_space<vmem>>, %arg4: memref<128x128xf32, #tpu.memory_space<vmem>>, %arg5: memref<128x128xf32, #tpu.memory_space<vmem>>, %arg6: memref<1x128xf32, #tpu.memory_space<vmem>>, %arg7: memref<2048x128xf32, #tpu.memory_space<vmem>>) attributes {dimension_semantics = [#tpu.dimension_semantics<arbitrary>], iteration_bounds = array<i64: 5>, scalar_prefetch = 0 : i64, scratch_operands = 0 : i64, tpu.core_type = #tpu.core_type<tc>, window_params = [{transform_indices = @transform_0, window_bounds = array<i64: 2, 2048, 128>}, {transform_indices = @transform_1, window_bounds = array<i64: 32, 2048>}, {transform_indices = @transform_2, window_bounds = array<i64: 2048, 128>}, {pipeline_mode = #tpu.pipeline_mode<synchronous>, transform_indices = @transform_3, window_bounds = array<i64: 128, 128>}, {pipeline_mode = #tpu.pipeline_mode<synchronous>, transform_indices = @transform_4, window_bounds = array<i64: 128, 128>}, {pipeline_mode = #tpu.pipeline_mode<synchronous>, transform_indices = @transform_5, window_bounds = array<i64: 1, 128>}, {transform_indices = @transform_6, window_bounds = array<i64: 2048, 128>}]} {
    %get3A = arith.constant 0 : index
    %get3A_0 = arith.constant 0 : index
    %get3A_1 = arith.constant 0 : index
    %get3A_2 = vector.load %arg1[%get3A, %get3A_0, %get3A_1] : memref<2x2048x128xf32, #tpu.memory_space<vmem>>, vector<1x2048x128xf32>
    %get3A_3 = vector.shape_cast %get3A_2 : vector<1x2048x128xf32> to vector<2048x128xf32>
    %get3A_4 = arith.constant 1 : index
    %get3A_5 = arith.constant 0 : index
    %get3A_6 = arith.constant 0 : index
    %get3A_7 = vector.load %arg1[%get3A_4, %get3A_5, %get3A_6] : memref<2x2048x128xf32, #tpu.memory_space<vmem>>, vector<1x2048x128xf32>
    %get3A_8 = vector.shape_cast %get3A_7 : vector<1x2048x128xf32> to vector<2048x128xf32>
    %add3A = arith.addf %get3A_3, %get3A_8 : vector<2048x128xf32>
    %get3A_9 = arith.constant 0 : index
    %get3A_10 = arith.constant 0 : index
    %get3A_11 = vector.load %arg2[%get3A_9, %get3A_10] : memref<32x2048xf32, #tpu.memory_space<vmem>>, vector<32x2048xf32>
    %reduce_sum3A = arith.constant dense<0.000000e+00> : vector<2048xf32>
    %reduce_sum3A_12 = vector.multi_reduction <add>, %get3A_11, %reduce_sum3A [0] : vector<32x2048xf32> to vector<2048xf32>
    %max3A = arith.constant 1.000000e+00 : f32
    %max3A_13 = vector.broadcast %max3A : f32 to vector<2048xf32>
    %max3A_14 = arith.maximumf %reduce_sum3A_12, %max3A_13 : vector<2048xf32>
    %broadcast_in_dim3A = vector.shape_cast %max3A_14 : vector<2048xf32> to vector<2048x1xf32>
    %div3A = vector.broadcast %broadcast_in_dim3A : vector<2048x1xf32> to vector<2048x128xf32>
    %div3A_15 = arith.divf %add3A, %div3A : vector<2048x128xf32>
    %get3A_16 = arith.constant 0 : index
    %get3A_17 = arith.constant 0 : index
    %get3A_18 = vector.load %arg4[%get3A_16, %get3A_17] : memref<128x128xf32, #tpu.memory_space<vmem>>, vector<128x128xf32>
    %dot_general3A = arith.constant dense<0.000000e+00> : vector<2048x128xf32>
    %dot_general3A_19 = tpu.matmul %div3A_15, %get3A_18, %dot_general3A {dimension_numbers = #tpu.dot_dimension_numbers<[1], [0], [0], [1], [0, 0, 1, 1], [], []>, transpose_lhs_hint = false} : vector<2048x128xf32>, vector<128x128xf32>, vector<2048x128xf32> -> vector<2048x128xf32>
    %get3A_20 = arith.constant 0 : index
    %get3A_21 = arith.constant 0 : index
    %get3A_22 = vector.load %arg3[%get3A_20, %get3A_21] : memref<2048x128xf32, #tpu.memory_space<vmem>>, vector<2048x128xf32>
    %get3A_23 = arith.constant 0 : index
    %get3A_24 = arith.constant 0 : index
    %get3A_25 = vector.load %arg5[%get3A_23, %get3A_24] : memref<128x128xf32, #tpu.memory_space<vmem>>, vector<128x128xf32>
    %dot_general3A_26 = arith.constant dense<0.000000e+00> : vector<2048x128xf32>
    %dot_general3A_27 = tpu.matmul %get3A_22, %get3A_25, %dot_general3A_26 {dimension_numbers = #tpu.dot_dimension_numbers<[1], [0], [0], [1], [0, 0, 1, 1], [], []>, transpose_lhs_hint = false} : vector<2048x128xf32>, vector<128x128xf32>, vector<2048x128xf32> -> vector<2048x128xf32>
    %add3A_28 = arith.addf %dot_general3A_19, %dot_general3A_27 : vector<2048x128xf32>
    %get3A_29 = arith.constant 0 : index
    %get3A_30 = arith.constant 0 : index
    %get3A_31 = vector.load %arg6[%get3A_29, %get3A_30] : memref<1x128xf32, #tpu.memory_space<vmem>>, vector<1x128xf32>
    %add3A_32 = vector.broadcast %get3A_31 : vector<1x128xf32> to vector<2048x128xf32>
    %add3A_33 = arith.addf %add3A_28, %add3A_32 : vector<2048x128xf32>
    %swap3A = arith.constant 0 : index
    %swap3A_34 = arith.constant 0 : index
    %swap3A_35 = vector.load %arg7[%swap3A, %swap3A_34] : memref<2048x128xf32, #tpu.memory_space<vmem>>, vector<2048x128xf32>
    tpu.vector_store %arg7[%swap3A, %swap3A_34], %add3A_33 {strides = array<i32>} : memref<2048x128xf32, #tpu.memory_space<vmem>>, vector<2048x128xf32>,
    return
  }
  func.func @transform_0(%arg0: i32) -> (i32, i32, i32) {
    %c0_i32 = arith.constant 0 : i32
    %c0_i32_0 = arith.constant 0 : i32
    %c0_i32_1 = arith.constant 0 : i32
    return %c0_i32, %arg0, %c0_i32_0 : i32, i32, i32
  }
  func.func @transform_1(%arg0: i32) -> (i32, i32) {
    %c0_i32 = arith.constant 0 : i32
    %c0_i32_0 = arith.constant 0 : i32
    return %c0_i32, %arg0 : i32, i32
  }
  func.func @transform_2(%arg0: i32) -> (i32, i32) {
    %c0_i32 = arith.constant 0 : i32
    %c0_i32_0 = arith.constant 0 : i32
    return %arg0, %c0_i32 : i32, i32
  }
  func.func @transform_3(%arg0: i32) -> (i32, i32) {
    %c0_i32 = arith.constant 0 : i32
    %c0_i32_0 = arith.constant 0 : i32
    %c0_i32_1 = arith.constant 0 : i32
    return %c0_i32, %c0_i32_0 : i32, i32
  }
  func.func @transform_4(%arg0: i32) -> (i32, i32) {
    %c0_i32 = arith.constant 0 : i32
    %c0_i32_0 = arith.constant 0 : i32
    %c0_i32_1 = arith.constant 0 : i32
    return %c0_i32, %c0_i32_0 : i32, i32
  }
  func.func @transform_5(%arg0: i32) -> (i32, i32) {
    %c0_i32 = arith.constant 0 : i32
    %c0_i32_0 = arith.constant 0 : i32
    %c0_i32_1 = arith.constant 0 : i32
    return %c0_i32, %c0_i32_0 : i32, i32
  }
  func.func @transform_6(%arg0: i32) -> (i32, i32) {
    %c0_i32 = arith.constant 0 : i32
    %c0_i32_0 = arith.constant 0 : i32
    return %arg0, %c0_i32 : i32, i32
  }
}

</mosaic_0001>

<sc_bundles>
// kernel: kernel.6.cloned.1.call-start
scs
__scs_entry_jumppad:
0x0: {  	(pc) =	sbr.rel $0x88, $3  }
0x1: {  	(tag) =	ssettag $0x0;
	lr =	simm.s32 $0x1  }
0x2: {  	[smem:$0x3F95] =	sst lr;
	_ =	strace $0xD0000000  }
0x3: {  	_ = 	snop  }
0x4: {  	_ = 	snop  }
0x5: {  	_ = 	snop  }
0x6: {  	_ = 	snop  }
0x7: {  	_ = 	snop  }
__scs_overlays_trampoline_lowered:
0x8: {  	[smem:$0x3FA4] =	sst s0  }
0x9: {  	[smem:$0x3FA5] =	sst s1  }
0xa: {  	[smem:$0x3FA6] =	sst s2  }
0xb: {  	[smem:$0x3FA7] =	sst s3  }
0xc: {  	[smem:$0x3FA8] =	sst s4  }
0xd: {  	[smem:$0x3FA9] =	sst s5  }
0xe: {  	[smem:$0x3FAA] =	sst s6  }
0xf: {  	[smem:$0x3FAB] =	sst s7  }
0x10: {  	[smem:$0x3FAC] =	sst s8  }
0x11: {  	[smem:$0x3FAD] =	sst s9;
	s0 =	simm.s32 @!p0 $0x0  }
0x12: {  	s1 =	sld [smem:$0x3F93];
	s0 =	simm.s32 @p0 $0x1  }
0x13: {  	[smem:$0x3FAE] =	sst s0;
	s0 =	simm.s32 @!p1 $0x0  }
0x14: {  	s2 =	sld [smem:$0x3F92];
	s0 =	simm.s32 @p1 $0x1  }
0x15: {  	[smem:$0x3FAF] =	sst s0;
	s0 =	simm.s32 @!p2 $0x0  }
0x16: {  	s3 =	sld [smem:$0x3FDB];
	s0 =	simm.s32 @p2 $0x1  }
0x17: {  	s4 =	simm.s32 $0x1BF5;
	[smem:$0x3FB1] =	sst s0  }
0x18: {  	s0 =	sld [smem:$0x3F94];
	_ =	swait.ge [sflag:s4], $0x0  }
0x19: {  	s7 =	sld [smem:$0x3F95]  }
0x1a: {  	s8 =	sadd.s32 $0xFFFFE003, lr  }
0x1b: {  	s9 =	sadd.s32 $0xFFFFFEF7, lr;
	s5 =	simm.s32 $0xFFFFFFFF;
	p2 =	slt.u32 s8, $0xFFFFF086  }
0x1c: {  	p1 =	slt.u32 s9, $0xF7A;
	s5 =	simm.s32 @!p2 $0x0  }
0x1d: {  	s5 =	simm.s32 @p1 $0x1;
	p0 =	seq.s32 s7, s2  }
0x1e: {  	s7 =	smul.u32 @!p0 $0xF7A, s2;
	p2 =	seq.s32 @!p0 s5, $0x0  }
0x1f: {  	s9 =	smul.u32 $0xF7A, s1;
	s8 =	simm.s32 @!p0 $0x1BF5;
	p2 =	por !p2, p0  }
0x20: {  	[sflag:s8] =	ssyncset.s32 @!p0 $0xFFFFF086;
	s6 =	sadd.s32 @!p0 s3, s7;
	s7 =	simm.s32 @!p0 $0x108  }
0x21: {  	s3 =	sadd.s32 s3, s9;
	s6 =	sadd.s32 @!p0 $0x88, s6;
	s7 =	simm.s32 @p2 $0x1082  }
0x22: {  	[simem:s7], [sflag:s8] =	dma.local @!p0 [hbm:s6], $0xF7A  }
0x23: {  	s9 =	sor.u32 $0xD0000000, s2;
	s6 =	simm.s32 $0x108;
	_ =	swait.ge @!p0 [sflag:s8], $0x0  }
0x24: {  	s3 =	sadd.s32 $0x88, s3;
	s6 =	simm.s32 @!p1 $0x1082;
	[sflag:s4] =	ssyncset.s32 $0xFFFFF086  }
0x25: {  	[simem:s6], [sflag:s4] =	dma.local [hbm:s3], $0xF7A  }
0x26: {  	[smem:$0x3F95] =	sst s1;
	(tag) =	ssettag s2;
	_ =	strace s9  }
0x27: {  	s1 =	sld [smem:$0x3FA5]  }
0x28: {  	s2 =	sld [smem:$0x3FA6]  }
0x29: {  	s4 =	sld [smem:$0x3FA8]  }
0x2a: {  	p0 =	seq.s32 s5, $0x0;
	s5 =	sld [smem:$0x3FA9]  }
0x2b: {  	s6 =	sld [smem:$0x3FAA]  }
0x2c: {  	s7 =	sld [smem:$0x3FAB]  }
0x2d: {  	s3 =	simm.s32 $0x108;
	s8 =	sld [smem:$0x3FAC]  }
0x2e: {  	s3 =	simm.s32 @!p0 $0x1082;
	s9 =	sld [smem:$0x3FAD]  }
0x2f: {  	lr =	sadd.s32 s0, s3;
	s0 =	sld [smem:$0x3FA4]  }
0x30: {  	s3 =	sld [smem:$0x3FA7]  }
0x31: {  	[smem:$0x3FB0] =	sst s10  }
0x32: {  	s10 =	sld [smem:$0x3FAE];
	_ =	sdelay $0x3  }
0x33: {  	p0 =	seq.s32 s10, $0x1;
	s10 =	sld [smem:$0x3FB0];
	_ =	sdelay $0x3  }
0x34: {  	[smem:$0x3FB0] =	sst s10  }
0x35: {  	s10 =	sld [smem:$0x3FAF];
	_ =	sdelay $0x3  }
0x36: {  	p1 =	seq.s32 s10, $0x1;
	s10 =	sld [smem:$0x3FB0];
	_ =	sdelay $0x3  }
0x37: {  	[smem:$0x3FB0] =	sst s10  }
0x38: {  	s10 =	sld [smem:$0x3FB1]  }
0x39: {  	_ = 	snop;
	(pc) =	sbr.ind lr, $3  }
0x3a: {  	_ = 	snop  }
0x3b: {  	_ = 	snop  }
0x3c: {  	p2 =	seq.s32 s10, $0x1;
	s10 =	sld [smem:$0x3FB0]  }
0x3d: {  	_ =	shalt  }
0x3e: {  	_ =	shalt  }
0x3f: {  	_ =	shalt  }
0x40: {  	_ =	shalt  }
0x41: {  	_ =	shalt  }
0x42: {  	_ =	shalt  }
0x43: {  	_ =	shalt  }
0x44: {  	_ =	shalt  }
0x45: {  	_ =	shalt  }
0x46: {  	_ =	shalt  }
0x47: {  	_ =	shalt  }
0x48: {  	_ =	shalt  }
0x49: {  	_ =	shalt  }
0x4a: {  	_ =	shalt  }
0x4b: {  	_ =	shalt  }
0x4c: {  	_ =	shalt  }
0x4d: {  	_ =	shalt  }
0x4e: {  	_ =	shalt  }
0x4f: {  	_ =	shalt  }
0x50: {  	_ =	shalt  }
0x51: {  	_ =	shalt  }
0x52: {  	_ =	shalt  }
0x53: {  	_ =	shalt  }
0x54: {  	_ =	shalt  }
0x55: {  	_ =	shalt  }
0x56: {  	_ =	shalt  }
0x57: {  	_ =	shalt  }
0x58: {  	_ =	shalt  }
0x59: {  	_ =	shalt  }
0x5a: {  	_ =	shalt  }
0x5b: {  	_ =	shalt  }
0x5c: {  	_ =	shalt  }
0x5d: {  	_ =	shalt  }
0x5e: {  	_ =	shalt  }
0x5f: {  	_ =	shalt  }
0x60: {  	_ =	shalt  }
0x61: {  	_ =	shalt  }
0x62: {  	_ =	shalt  }
0x63: {  	_ =	shalt  }
0x64: {  	_ =	shalt  }
0x65: {  	_ =	shalt  }
0x66: {  	_ =	shalt  }
0x67: {  	_ =	shalt  }
0x68: {  	_ =	shalt  }
0x69: {  	_ =	shalt  }
0x6a: {  	_ =	shalt  }
0x6b: {  	_ =	shalt  }
0x6c: {  	_ =	shalt  }
0x6d: {  	_ =	shalt  }
0x6e: {  	_ =	shalt  }
0x6f: {  	_ =	shalt  }
0x70: {  	_ =	shalt  }
0x71: {  	_ =	shalt  }
0x72: {  	_ =	shalt  }
0x73: {  	_ =	shalt  }
0x74: {  	_ =	shalt  }
0x75: {  	_ =	shalt  }
0x76: {  	_ =	shalt  }
0x77: {  	_ =	shalt  }
0x78: {  	_ =	shalt  }
0x79: {  	_ =	shalt  }
0x7a: {  	_ =	shalt  }
0x7b: {  	_ =	shalt  }
0x7c: {  	_ =	shalt  }
0x7d: {  	_ =	shalt  }
0x7e: {  	_ =	shalt  }
0x7f: {  	_ =	shalt  }
0x80: {  	_ =	shalt  }
0x81: {  	_ =	shalt  }
0x82: {  	_ =	shalt  }
0x83: {  	_ =	shalt  }
0x84: {  	_ =	shalt  }
0x85: {  	_ =	shalt  }
0x86: {  	_ =	shalt  }
0x87: {  	_ =	shalt  }
.Lfunc_end0:
.L_simem_size_0:
called_computation_lowered:
.L_overlay_start_0:
0x88: {  	s2 =	sld [smem:$0x3FD9]  }
0x89: {  	s3 =	sld [smem:$0x3FFE];
	_ =	sdelay $0x1  }
0x8a: {  	s1 =	srdreg.scid  }
0x8b: {  	s0 =	sand.u32 $0x1, s1  }
0x8c: {  	s17 =	sshll.u32 s0, $0xA;
	s2 =	sadd.s32 s3, s2  }
0x8d: {  	s2 =	sadd.s32 s2, s17  }
0x8e: {  	[smem:$0x3FBC] =	sst s2  }
0x8f: {  	_ = 	snop  }
0x90: {  	s2 =	sld [smem:$0x3FD0];
	(tm) =	ssettm $0x1  }
0x91: {  	s18 =	sld [smem:$0x3FFB];
	_ =	sdelay $0x3  }
0x92: {  	_ =	strace s18  }
0x93: {  	s3 =	sld [smem:$0x3FFC];
	_ =	sdelay $0x3  }
0x94: {  	_ =	strace s3  }
0x95: {  	s3 =	sld [smem:$0x3FFD];
	_ =	sdelay $0x3  }
0x96: {  	_ =	strace s3  }
0x97: {  	_ =	strace $0x8FFFFFFF  }
0x98: {  	s19 =	sld [smem:$0x3FDB];
	_ =	sdelay $0x1  }
0x99: {  	s4 =	simm.s32 $_scs_section_size  }
0x9a: {  	s5 =	simm.s32 $_size__tile_overlayer_lowered;
	s6 =	simm.s32 $_tile_overlayer_lowered  }
0x9b: {  	s22 =	simm.s32 $0x1BFF;
	s21 =	sshll.u32 s6, $0x1;
	s3 =	sadd.s32 s4, s19  }
0x9c: {  	s7 =	simm.s32 $0x0;
	s20 =	sshll.u32 s5, $0x1;
	s5 =	sadd.s32 s21, s3  }
0x9d: {  	[timem:s7], [sflag:s22] =	dma.local [hbm:s5], s20  }
0x9e: {  	_ =	swait.ge [sflag:s22], s20  }
0x9f: {  	s4 =	ssub.s32 $0x0, s20;
	[sflag:s22] =	ssyncset.done $0x0  }
0xa0: {  	[sflag:s22] =	ssyncadd.s32 s4;
	_ =	sdelay $0x1  }
0xa1: {  	s23 =	simm.s32 $0x1B8B  }
0xa2: {  	_ =	swait.ge [sflag:s23], $0x1  }
0xa3: {  	[sflag:s23] =	ssyncset.done $0x0  }
0xa4: {  	s25 =	simm.s32 $0x1B8E;
	s24 =	sld [smem:$0x3FFE];
	[sflag:s23] =	ssyncadd.s32 $0xFFFFFFFF  }
0xa5: {  	s26 =	simm.s32 $execute0_lowered;
	[smem:$0x3FD2] =	sst s25  }
0xa6: {  	s5 =	sshll.u32 s26, $0x1;
	_ =	strace $0x80000046;
	[dreg:$0x1] =	wrdreg $0xFFFFFFFF  }
0xa7: {  	s28 =	simm.s32 $_size_execute0_lowered;
	s3 =	sadd.s32 s3, s5;
	[dreg:$0x0] =	wrdreg $0x0  }
0xa8: {  	s5 =	sshll.u32 s28, $0x1;
	[dreg:$0x2] =	wrdreg s3  }
0xa9: {  	[dreg:$0x3] =	wrdreg s5  }
0xaa: {  	[dreg:$0x4] =	wrdreg $0xC0  }
0xab: {  	_ =	task [dreg:s7], $0x5FFFF  }
0xac: {  	[dreg:$0x1] =	wrdreg $0xFFFFFFFF  }
0xad: {  	[dreg:$0x0] =	wrdreg $0x60  }
0xae: {  	[dreg:$0x2] =	wrdreg s24  }
0xaf: {  	[dreg:$0x3] =	wrdreg s2  }
0xb0: {  	[dreg:$0x4] =	wrdreg $0x41000  }
0xb1: {  	[dreg:$0x5] =	wrdreg $0x9  }
0xb2: {  	_ =	task.clear_ibuf [dreg:s7], $0x6FFFF;
	_ =	strace $0x90000046  }
0xb3: {  	s29 =	simm.s32 $0x9;
	_ =	strace $0x80000048  }
0xb4: {  	_ =	swait.ge [sflag:s29], $0x1  }
0xb5: {  	[sflag:s29] =	ssyncadd.s32 $0xFFFFFFFF  }
0xb6: {  	_ =	strace $0x90000048  }
0xb7: {  	_ =	sfence  }
0xb8: {  	s30 =	sld [smem:$0x0];
	_ =	sdelay $0x2  }
0xb9: {  	s31 =	sshll.u32 s1, $0xD;
	s1 =	sshrl.u32 s1, $0x2  }
0xba: {  	s3 =	sand.u32 $0x4000, s31;
	s1 =	sadd.s32 s1, s30  }
0xbb: {  	s0 =	sor.u32 s3, s0;
	s1 =	sshll.u32 s1, $0x11  }
0xbc: {  	s0 =	sor.u32 s1, s0  }
0xbd: {  	s0 =	sadd.s32 $0x8F2B, s0  }
0xbe: {  	[sflag:s0] =	ssyncadd.remote.s32 $0x1  }
0xbf: {  	_ =	sfence.sel $0xFFFF  }
0xc0: {  	[dreg:$0x0] =	wrdreg $0xFFFFFFFF;
	(pc) =	sbr.abs _section_cstart, $3  }
0xc1: {  	[dreg:$0x1] =	wrdreg $0xFFFFFFFF  }
0xc2: {  	_ =	task.clear_ibuf [dreg:s7], $0x2FFFF;
	_ =	strace $0x9FFFFFFF  }
0xc3: {  	(tm) =	ssettm $0x7FFFFFFF  }
tec
execute0_lowered:
.L_overlay_start_1:
0x0: {  	(tag) =	ssettag $0x1  }
0x1: {  	s6 =	rddreg [dreg:$0x0]  }
0x2: {  	s9 =	rddreg [dreg:$0x1];
	s0 =	srdreg.scid  }
0x3: {  	s2 =	rddreg [dreg:$0x2];
	s1 =	stileid.u32;
	s3 =	simm.s32 $0x0  }
0x4: {  	s16 =	simm.s32 $0x100;
	s17 =	simm.s32 $0x1;
	s18 =	simm.s32 $0x18100  }
0x5: {  	s19 =	simm.s32 $0x400;
	s20 =	simm.s32 $0x0;
	s7 =	sand.u32 $0x1, s0  }
0x6: {  	s0 =	rddreg [dreg:$0x3];
	s4 =	sshll.u32 s1, $0x8;
	s11 =	smul.u32 $0x14000, s1  }
0x7: {  	[smem:$0x7FF] =	sst s3;
	s13 =	smul.u32 $0x50000, s1;
	s26 =	sshrl.u32 s1, $0x2  }
0x8: {  	s29 =	sshll.u32 s1, $0x6;
	p0 =	slt.u32 s1, $0x2;
	s5 =	sshll.u32 s7, $0x7  }
0x9: {  	s10 =	smul.u32 $0x140000, s7;
	_ =	strace $0x80000047;
	s7 =	ssub.s32 $0x2, s7  }
0xa: {  	s14 =	smul.u32 $0x14000, s26;
	s8 =	sor.u32 s5, s4;
	s4 =	sadd.s32 $0x16A00, s6  }
0xb: {  	s25 =	sshrl.u32 s7, $0x1;
	s28 =	sshrl.u32 s13, $0x2;
	s5 =	sshrl.u32 s8, $0x3  }
0xc: {  	s10 =	sadd.s32 s11, s10;
	s11 =	ssub.s32 s7, s25;
	s15 =	sadd.s32 s28, s2  }
0xd: {  	s8 =	sand.u32 $0x380, s8;
	s7 =	simm.s32 $0x4F;
	s12 =	sadd.s32 s5, s6  }
0xe: {  	s5 =	sadd.s32 $0x3EA00, s6;
	s10 =	sshrl.u32 s10, $0x3;
	s30 =	sor.u32 s14, s8  }
0xf: {  	s7 =	simm.s32 @!p0 $0x4E;
	s13 =	sshrl.u32 s15, $0x3;
	s14 =	simm.s32 $0x2  }
0x10: {  	s15 =	simm.s32 $0x80;
	s10 =	sadd.s32 s10, s6;
	s31 =	sshrl.u32 s30, $0x3  }
0x11: {  	s6 =	sor.u32 $0x1C02, s29;
	s8 =	sadd.s32 $0x41200, s10;
	s9 =	sadd.s32 s9, s31  }
0x12: {  	v0 =	vimm.f32 $0.0e+00;
	v1 =	vimm.f32 $1.000000000e+00;
	s10 =	smax.u32 s11, $0x1;
	s11 =	sadd.s32 $0x2E00, s12;
	s12 =	sadd.s32 $0xCC00, s12  }
.LBB2_1:
0x13: {  	[spmem:s13], [sflag:s6] =	dma.local [hbm:s5], $0x2800  }
0x14: {  	_ =	swait.ge [sflag:s14], $0x2800  }
0x15: {  	[sflag:s14] =	ssyncset.done $0x0  }
0x16: {  	s21 =	simm.s32 $0x0;
	s22 =	simm.s32 $0x400;
	[sflag:s14] =	ssyncadd.s32 $0xFFFFD800  }
.LBB2_2:
0x17: {  	p0 =	sne.s32 s22, $0x9C00;
	[tilespmem:s21+$0x181F0] =	vst v0  }
0x18: {  	[tilespmem:s21+$0x18100] =	vst v0  }
0x19: {  	[tilespmem:s21+$0x18110] =	vst v0  }
0x1a: {  	[tilespmem:s21+$0x18120] =	vst v0  }
0x1b: {  	[tilespmem:s21+$0x18130] =	vst v0  }
0x1c: {  	[tilespmem:s21+$0x18140] =	vst v0  }
0x1d: {  	[tilespmem:s21+$0x18150] =	vst v0  }
0x1e: {  	[tilespmem:s21+$0x18160] =	vst v0  }
0x1f: {  	[tilespmem:s21+$0x18170] =	vst v0  }
0x20: {  	[tilespmem:s21+$0x18180] =	vst v0  }
0x21: {  	[tilespmem:s21+$0x18190] =	vst v0  }
.Ltmp0:
0x22: {  	[tilespmem:s21+$0x181A0] =	vst v0;
	(pc) =	sbr.rel @p0 .LBB2_2-.Ltmp0, $4  }
0x23: {  	[tilespmem:s21+$0x181B0] =	vst v0  }
0x24: {  	[tilespmem:s21+$0x181C0] =	vst v0  }
0x25: {  	[tilespmem:s21+$0x181D0] =	vst v0  }
0x26: {  	[tilespmem:s21+$0x181E0] =	vst v0;
	s21 =	sshra.s32 s22, $0x2;
	s22 =	sadd.s32 $0x400, s22  }
0x27: {  	[tilespmem:s21+$0x181F0] =	vst v0  }
0x28: {  	[tilespmem:s21+$0x18100] =	vst v0  }
0x29: {  	[tilespmem:s21+$0x18110] =	vst v0  }
0x2a: {  	[tilespmem:s21+$0x18120] =	vst v0  }
0x2b: {  	[tilespmem:s21+$0x18130] =	vst v0  }
0x2c: {  	[tilespmem:s21+$0x18140] =	vst v0  }
0x2d: {  	[tilespmem:s21+$0x18150] =	vst v0  }
0x2e: {  	[tilespmem:s21+$0x18160] =	vst v0  }
0x2f: {  	[tilespmem:s21+$0x18170] =	vst v0  }
0x30: {  	[tilespmem:s21+$0x18180] =	vst v0  }
0x31: {  	[tilespmem:s21+$0x18190] =	vst v0  }
0x32: {  	[tilespmem:s21+$0x181A0] =	vst v0  }
0x33: {  	[tilespmem:s21+$0x181B0] =	vst v0  }
0x34: {  	[tilespmem:s21+$0x181C0] =	vst v0  }
0x35: {  	[tilespmem:s21+$0x181D0] =	vst v0  }
0x36: {  	[tilespmem:s21+$0x181E0] =	vst v0;
	s21 =	smov.u32 s12  }
0x37: {  	s22 =	smov.u32 s11;
	s23 =	smov.u32 s7;
	[bflag:$0x0] =	sbarrier.arrive $0xFFFF  }
.LBB2_4:
0x38: {  	[tilespmem:s3], [sflag:$0x2] =	stream.linear.gather [hbm4b:s21+s3], $0x80, $0x38;
	[tilespmem:$0x1A900] =	vst v63  }
0x39: {  	_ =	swait.ge [sflag:s14], $0x80  }
0x3a: {  	[sflag:s14] =	ssyncset.done $0x0  }
0x3b: {  	[sflag:s14] =	ssyncadd.s32 $0xFFFFFF80  }
0x3c: {  	[tilespmem:s15], [sflag:$0x2] =	stream.linear.gather [hbm4b:s22+s3], $0x80, $0x38;
	[tilespmem:$0x1A900] =	vst v63  }
0x3d: {  	_ =	swait.ge [sflag:s14], $0x80  }
0x3e: {  	[sflag:s14] =	ssyncset.done $0x0  }
0x3f: {  	[sflag:s14] =	ssyncadd.s32 $0xFFFFFF80  }
0x40: {  	[tilespmem:s16], [sflag:$0x1] =	stream.indirect.gather [hbm4b:s4+s15], $0x80, s3, s15, $0xb8;
	[tilespmem:$0x1A900] =	vst v63  }
0x41: {  	_ =	swait.ge [sflag:s17], $0x4000  }
0x42: {  	[sflag:s17] =	ssyncset.done $0x0  }
0x43: {  	[sflag:s17] =	ssyncadd.s32 $0xFFFFC000  }
0x44: {  	[spmem:s2] =	stream.indirect.scatter.add.f32 [tilespmem:s16], [sflag:$0x2], $0x80, s15, s15, $0xb8;
	[tilespmem:$0x1A900] =	vst v63  }
0x45: {  	_ =	swait.ge [sflag:s14], $0x4000  }
0x46: {  	[sflag:s14] =	ssyncset.done $0x0  }
0x47: {  	[sflag:s14] =	ssyncadd.s32 $0xFFFFC000  }
0x48: {  	v2 =	vld [tilespmem:$0x80];
	_ =	sdelay $0x7  }
0x49: {  	[tilespmem:v2+s18+$0x0] =	vst.idx.add.f32.msk $0xffff, v1  }
0x4a: {  	v2 =	vld [tilespmem:$0x90];
	_ =	sdelay $0x7  }
0x4b: {  	[tilespmem:v2+s18+$0x0] =	vst.idx.add.f32.msk $0xffff, v1  }
0x4c: {  	v2 =	vld [tilespmem:$0xA0];
	_ =	sdelay $0x7  }
0x4d: {  	[tilespmem:v2+s18+$0x0] =	vst.idx.add.f32.msk $0xffff, v1  }
0x4e: {  	v2 =	vld [tilespmem:$0xB0];
	_ =	sdelay $0x7  }
0x4f: {  	[tilespmem:v2+s18+$0x0] =	vst.idx.add.f32.msk $0xffff, v1  }
0x50: {  	v2 =	vld [tilespmem:$0xC0];
	_ =	sdelay $0x7  }
0x51: {  	[tilespmem:v2+s18+$0x0] =	vst.idx.add.f32.msk $0xffff, v1  }
0x52: {  	v2 =	vld [tilespmem:$0xD0];
	_ =	sdelay $0x7  }
0x53: {  	[tilespmem:v2+s18+$0x0] =	vst.idx.add.f32.msk $0xffff, v1  }
0x54: {  	v2 =	vld [tilespmem:$0xE0];
	_ =	sdelay $0x7  }
0x55: {  	[tilespmem:v2+s18+$0x0] =	vst.idx.add.f32.msk $0xffff, v1  }
0x56: {  	v2 =	vld [tilespmem:$0xF0];
	_ =	sdelay $0x2  }
0x57: {  	p0 =	sne.s32 s23, $0x1  }
.Ltmp1:
0x58: {  	_ = 	snop;
	(pc) =	sbr.rel @p0 .LBB2_4-.Ltmp1, $2  }
0x59: {  	_ =	sdelay $0x2  }
0x5a: {  	s21 =	sadd.s32 $0x200, s21;
	s23 =	sadd.s32 $0xFFFFFFFF, s23;
	s22 =	sadd.s32 $0x200, s22;
	[tilespmem:v2+s18+$0x0] =	vst.idx.add.f32.msk $0xffff, v1  }
0x5b: {  	[bflag:$0x0] =	sbarrier.arrive $0xFFFF  }
0x5c: {  	[hbm:s8], [sflag:s6] =	dma.local [spmem:s13], $0x2800  }
0x5d: {  	s20 =	sadd.s32 $0x1, s20;
	_ =	swait.ge [sflag:s14], $0x2800  }
0x5e: {  	p0 =	sne.s32 s20, s10;
	[sflag:s14] =	ssyncset.done $0x0  }
.Ltmp2:
0x5f: {  	[sflag:s14] =	ssyncadd.s32 $0xFFFFD800;
	(pc) =	sbr.rel @p0 .LBB2_1-.Ltmp2, $4  }
0x60: {  	[hbm4b:s9+s15] =	stream.strided.scatter [tilespmem:s18], [sflag:$0x2], $0x2800, s19, s15, $0x38;
	[tilespmem:$0x1A900] =	vst v63  }
0x61: {  	_ =	swait.ge [sflag:s14], $0x2800  }
0x62: {  	[sflag:s14] =	ssyncset.done $0x0  }
0x63: {  	[sflag:s14] =	ssyncadd.s32 $0xFFFFD800  }
0x64: {  	_ =	sfence.sel $0x180000  }
0x65: {  	[bflag:$0x0] =	sbarrier.arrive $0xFFFF  }
0x66: {  	p0 =	sne.s32 s1, $0x0;
	_ =	strace $0x90000047  }
0x67: {  	s0 =	sadd.s32 @!p0 $0x100000, s0;
	[bflag:$0x2] =	sbarrier.arrive $0xFFFF  }
0x68: {  	[sflag:s0] =	ssyncadd.tile.s32 @!p0 $0x1;
	_ =	shalt  }
.Lfunc_end2:
_tile_overlayer_lowered:
.L_overlay_start_2:
0x69: {  	(tag) =	ssettag $0x2  }
0x6a: {  	s0 =	rddreg [dreg:$0x0];
	s2 =	stileid.u32  }
0x6b: {  	s1 =	rddreg [dreg:$0x1];
	p0 =	sne.s32 s2, $0x0  }
0x6c: {  	s3 =	rddreg [dreg:$0x2];
	[bflag:$0x3] =	sbarrier.arrive $0xFFFF;
	s2 =	simm.s32 @!p0 $0x1C02  }
0x6d: {  	[timem:s3], [sflag:s2] =	dma.local @!p0 [hbm:s0], s1  }
0x6e: {  	s0 =	simm.s32 @!p0 $0x2  }
0x6f: {  	_ =	swait.ge @!p0 [sflag:s0], s1  }
0x70: {  	s1 =	ssub.s32 @!p0 $0x0, s1;
	[sflag:s0] =	ssyncset.done @!p0 $0x0  }
0x71: {  	[sflag:s0] =	ssyncadd.s32 @!p0 s1  }
0x72: {  	[bflag:$0x3] =	sbarrier.arrive $0xFFFF  }
0x73: {  	_ =	shalt  }

// kernel: kernel.9.cloned.1.call-start
scs
__scs_entry_jumppad:
0x0: {  	(pc) =	sbr.rel $0x88, $3  }
0x1: {  	(tag) =	ssettag $0x0;
	lr =	simm.s32 $0x1  }
0x2: {  	[smem:$0x3F95] =	sst lr;
	_ =	strace $0xD0000000  }
0x3: {  	_ = 	snop  }
0x4: {  	_ = 	snop  }
0x5: {  	_ = 	snop  }
0x6: {  	_ = 	snop  }
0x7: {  	_ = 	snop  }
__scs_overlays_trampoline_lowered:
0x8: {  	[smem:$0x3FA4] =	sst s0  }
0x9: {  	[smem:$0x3FA5] =	sst s1  }
0xa: {  	[smem:$0x3FA6] =	sst s2  }
0xb: {  	[smem:$0x3FA7] =	sst s3  }
0xc: {  	[smem:$0x3FA8] =	sst s4  }
0xd: {  	[smem:$0x3FA9] =	sst s5  }
0xe: {  	[smem:$0x3FAA] =	sst s6  }
0xf: {  	[smem:$0x3FAB] =	sst s7  }
0x10: {  	[smem:$0x3FAC] =	sst s8  }
0x11: {  	[smem:$0x3FAD] =	sst s9;
	s0 =	simm.s32 @!p0 $0x0  }
0x12: {  	s1 =	sld [smem:$0x3F93];
	s0 =	simm.s32 @p0 $0x1  }
0x13: {  	[smem:$0x3FAE] =	sst s0;
	s0 =	simm.s32 @!p1 $0x0  }
0x14: {  	s2 =	sld [smem:$0x3F92];
	s0 =	simm.s32 @p1 $0x1  }
0x15: {  	[smem:$0x3FAF] =	sst s0;
	s0 =	simm.s32 @!p2 $0x0  }
0x16: {  	s3 =	sld [smem:$0x3FDB];
	s0 =	simm.s32 @p2 $0x1  }
0x17: {  	s4 =	simm.s32 $0x1BF5;
	[smem:$0x3FB1] =	sst s0  }
0x18: {  	s0 =	sld [smem:$0x3F94];
	_ =	swait.ge [sflag:s4], $0x0  }
0x19: {  	s7 =	sld [smem:$0x3F95]  }
0x1a: {  	s8 =	sadd.s32 $0xFFFFE003, lr  }
0x1b: {  	s9 =	sadd.s32 $0xFFFFFEF7, lr;
	s5 =	simm.s32 $0xFFFFFFFF;
	p2 =	slt.u32 s8, $0xFFFFF086  }
0x1c: {  	p1 =	slt.u32 s9, $0xF7A;
	s5 =	simm.s32 @!p2 $0x0  }
0x1d: {  	s5 =	simm.s32 @p1 $0x1;
	p0 =	seq.s32 s7, s2  }
0x1e: {  	s7 =	smul.u32 @!p0 $0xF7A, s2;
	p2 =	seq.s32 @!p0 s5, $0x0  }
0x1f: {  	s9 =	smul.u32 $0xF7A, s1;
	s8 =	simm.s32 @!p0 $0x1BF5;
	p2 =	por !p2, p0  }
0x20: {  	[sflag:s8] =	ssyncset.s32 @!p0 $0xFFFFF086;
	s6 =	sadd.s32 @!p0 s3, s7;
	s7 =	simm.s32 @!p0 $0x108  }
0x21: {  	s3 =	sadd.s32 s3, s9;
	s6 =	sadd.s32 @!p0 $0x88, s6;
	s7 =	simm.s32 @p2 $0x1082  }
0x22: {  	[simem:s7], [sflag:s8] =	dma.local @!p0 [hbm:s6], $0xF7A  }
0x23: {  	s9 =	sor.u32 $0xD0000000, s2;
	s6 =	simm.s32 $0x108;
	_ =	swait.ge @!p0 [sflag:s8], $0x0  }
0x24: {  	s3 =	sadd.s32 $0x88, s3;
	s6 =	simm.s32 @!p1 $0x1082;
	[sflag:s4] =	ssyncset.s32 $0xFFFFF086  }
0x25: {  	[simem:s6], [sflag:s4] =	dma.local [hbm:s3], $0xF7A  }
0x26: {  	[smem:$0x3F95] =	sst s1;
	(tag) =	ssettag s2;
	_ =	strace s9  }
0x27: {  	s1 =	sld [smem:$0x3FA5]  }
0x28: {  	s2 =	sld [smem:$0x3FA6]  }
0x29: {  	s4 =	sld [smem:$0x3FA8]  }
0x2a: {  	p0 =	seq.s32 s5, $0x0;
	s5 =	sld [smem:$0x3FA9]  }
0x2b: {  	s6 =	sld [smem:$0x3FAA]  }
0x2c: {  	s7 =	sld [smem:$0x3FAB]  }
0x2d: {  	s3 =	simm.s32 $0x108;
	s8 =	sld [smem:$0x3FAC]  }
0x2e: {  	s3 =	simm.s32 @!p0 $0x1082;
	s9 =	sld [smem:$0x3FAD]  }
0x2f: {  	lr =	sadd.s32 s0, s3;
	s0 =	sld [smem:$0x3FA4]  }
0x30: {  	s3 =	sld [smem:$0x3FA7]  }
0x31: {  	[smem:$0x3FB0] =	sst s10  }
0x32: {  	s10 =	sld [smem:$0x3FAE];
	_ =	sdelay $0x3  }
0x33: {  	p0 =	seq.s32 s10, $0x1;
	s10 =	sld [smem:$0x3FB0];
	_ =	sdelay $0x3  }
0x34: {  	[smem:$0x3FB0] =	sst s10  }
0x35: {  	s10 =	sld [smem:$0x3FAF];
	_ =	sdelay $0x3  }
0x36: {  	p1 =	seq.s32 s10, $0x1;
	s10 =	sld [smem:$0x3FB0];
	_ =	sdelay $0x3  }
0x37: {  	[smem:$0x3FB0] =	sst s10  }
0x38: {  	s10 =	sld [smem:$0x3FB1]  }
0x39: {  	_ = 	snop;
	(pc) =	sbr.ind lr, $3  }
0x3a: {  	_ = 	snop  }
0x3b: {  	_ = 	snop  }
0x3c: {  	p2 =	seq.s32 s10, $0x1;
	s10 =	sld [smem:$0x3FB0]  }
0x3d: {  	_ =	shalt  }
0x3e: {  	_ =	shalt  }
0x3f: {  	_ =	shalt  }
0x40: {  	_ =	shalt  }
0x41: {  	_ =	shalt  }
0x42: {  	_ =	shalt  }
0x43: {  	_ =	shalt  }
0x44: {  	_ =	shalt  }
0x45: {  	_ =	shalt  }
0x46: {  	_ =	shalt  }
0x47: {  	_ =	shalt  }
0x48: {  	_ =	shalt  }
0x49: {  	_ =	shalt  }
0x4a: {  	_ =	shalt  }
0x4b: {  	_ =	shalt  }
0x4c: {  	_ =	shalt  }
0x4d: {  	_ =	shalt  }
0x4e: {  	_ =	shalt  }
0x4f: {  	_ =	shalt  }
0x50: {  	_ =	shalt  }
0x51: {  	_ =	shalt  }
0x52: {  	_ =	shalt  }
0x53: {  	_ =	shalt  }
0x54: {  	_ =	shalt  }
0x55: {  	_ =	shalt  }
0x56: {  	_ =	shalt  }
0x57: {  	_ =	shalt  }
0x58: {  	_ =	shalt  }
0x59: {  	_ =	shalt  }
0x5a: {  	_ =	shalt  }
0x5b: {  	_ =	shalt  }
0x5c: {  	_ =	shalt  }
0x5d: {  	_ =	shalt  }
0x5e: {  	_ =	shalt  }
0x5f: {  	_ =	shalt  }
0x60: {  	_ =	shalt  }
0x61: {  	_ =	shalt  }
0x62: {  	_ =	shalt  }
0x63: {  	_ =	shalt  }
0x64: {  	_ =	shalt  }
0x65: {  	_ =	shalt  }
0x66: {  	_ =	shalt  }
0x67: {  	_ =	shalt  }
0x68: {  	_ =	shalt  }
0x69: {  	_ =	shalt  }
0x6a: {  	_ =	shalt  }
0x6b: {  	_ =	shalt  }
0x6c: {  	_ =	shalt  }
0x6d: {  	_ =	shalt  }
0x6e: {  	_ =	shalt  }
0x6f: {  	_ =	shalt  }
0x70: {  	_ =	shalt  }
0x71: {  	_ =	shalt  }
0x72: {  	_ =	shalt  }
0x73: {  	_ =	shalt  }
0x74: {  	_ =	shalt  }
0x75: {  	_ =	shalt  }
0x76: {  	_ =	shalt  }
0x77: {  	_ =	shalt  }
0x78: {  	_ =	shalt  }
0x79: {  	_ =	shalt  }
0x7a: {  	_ =	shalt  }
0x7b: {  	_ =	shalt  }
0x7c: {  	_ =	shalt  }
0x7d: {  	_ =	shalt  }
0x7e: {  	_ =	shalt  }
0x7f: {  	_ =	shalt  }
0x80: {  	_ =	shalt  }
0x81: {  	_ =	shalt  }
0x82: {  	_ =	shalt  }
0x83: {  	_ =	shalt  }
0x84: {  	_ =	shalt  }
0x85: {  	_ =	shalt  }
0x86: {  	_ =	shalt  }
0x87: {  	_ =	shalt  }
.Lfunc_end0:
.L_simem_size_0:
called_computation.1_lowered:
.L_overlay_start_0:
0x88: {  	s2 =	sld [smem:$0x3FD9]  }
0x89: {  	s3 =	sld [smem:$0x3FFE];
	_ =	sdelay $0x1  }
0x8a: {  	s1 =	srdreg.scid  }
0x8b: {  	s0 =	sand.u32 $0x1, s1  }
0x8c: {  	s16 =	sshll.u32 s0, $0xA;
	s2 =	sadd.s32 s3, s2  }
0x8d: {  	s2 =	sadd.s32 s2, s16  }
0x8e: {  	[smem:$0x3FBC] =	sst s2  }
0x8f: {  	_ = 	snop  }
0x90: {  	(tm) =	ssettm $0x1  }
0x91: {  	s17 =	sld [smem:$0x3FFB];
	_ =	sdelay $0x3  }
0x92: {  	_ =	strace s17  }
0x93: {  	s2 =	sld [smem:$0x3FFC];
	_ =	sdelay $0x3  }
0x94: {  	_ =	strace s2  }
0x95: {  	s2 =	sld [smem:$0x3FFD];
	_ =	sdelay $0x3  }
0x96: {  	_ =	strace s2  }
0x97: {  	_ =	strace $0x8FFFFFFF  }
0x98: {  	s18 =	sld [smem:$0x3FDB];
	_ =	sdelay $0x1  }
0x99: {  	s19 =	simm.s32 $_scs_section_size  }
0x9a: {  	s4 =	simm.s32 $_size__tile_overlayer_lowered;
	s5 =	simm.s32 $_tile_overlayer_lowered  }
0x9b: {  	s22 =	simm.s32 $0x1BFF;
	s21 =	sshll.u32 s5, $0x1;
	s2 =	sadd.s32 s19, s18  }
0x9c: {  	s6 =	simm.s32 $0x0;
	s20 =	sshll.u32 s4, $0x1;
	s4 =	sadd.s32 s21, s2  }
0x9d: {  	[timem:s6], [sflag:s22] =	dma.local [hbm:s4], s20  }
0x9e: {  	_ =	swait.ge [sflag:s22], s20  }
0x9f: {  	s3 =	ssub.s32 $0x0, s20;
	[sflag:s22] =	ssyncset.done $0x0  }
0xa0: {  	[sflag:s22] =	ssyncadd.s32 s3;
	_ =	sdelay $0x1  }
0xa1: {  	s23 =	simm.s32 $0x1B8B  }
0xa2: {  	_ =	swait.ge [sflag:s23], $0x1  }
0xa3: {  	[sflag:s23] =	ssyncset.done $0x0  }
0xa4: {  	s25 =	simm.s32 $0x1B8E;
	s24 =	sld [smem:$0x3FFE];
	[sflag:s23] =	ssyncadd.s32 $0xFFFFFFFF  }
0xa5: {  	s26 =	simm.s32 $execute0_lowered;
	[smem:$0x3FD2] =	sst s25  }
0xa6: {  	s4 =	sshll.u32 s26, $0x1;
	_ =	strace $0x80000049;
	[dreg:$0x1] =	wrdreg $0xFFFFFFFF  }
0xa7: {  	s28 =	simm.s32 $_size_execute0_lowered;
	s2 =	sadd.s32 s2, s4;
	[dreg:$0x0] =	wrdreg $0x0  }
0xa8: {  	s4 =	sshll.u32 s28, $0x1;
	[dreg:$0x2] =	wrdreg s2  }
0xa9: {  	[dreg:$0x3] =	wrdreg s4  }
0xaa: {  	[dreg:$0x4] =	wrdreg $0xC0  }
0xab: {  	_ =	task [dreg:s6], $0x5FFFF  }
0xac: {  	[dreg:$0x1] =	wrdreg $0xFFFFFFFF  }
0xad: {  	[dreg:$0x0] =	wrdreg $0x60  }
0xae: {  	[dreg:$0x2] =	wrdreg s24  }
0xaf: {  	[dreg:$0x3] =	wrdreg $0x41000  }
0xb0: {  	[dreg:$0x4] =	wrdreg $0x9  }
0xb1: {  	_ =	task.clear_ibuf [dreg:s6], $0x5FFFF;
	_ =	strace $0x90000049  }
0xb2: {  	s29 =	simm.s32 $0x9;
	_ =	strace $0x8000004B  }
0xb3: {  	_ =	swait.ge [sflag:s29], $0x1  }
0xb4: {  	[sflag:s29] =	ssyncadd.s32 $0xFFFFFFFF  }
0xb5: {  	_ =	strace $0x9000004B  }
0xb6: {  	_ =	sfence  }
0xb7: {  	s30 =	sld [smem:$0x0];
	_ =	sdelay $0x2  }
0xb8: {  	s31 =	sshll.u32 s1, $0xD;
	s1 =	sshrl.u32 s1, $0x2  }
0xb9: {  	s3 =	sand.u32 $0x4000, s31;
	s1 =	sadd.s32 s1, s30  }
0xba: {  	s0 =	sor.u32 s3, s0;
	s1 =	sshll.u32 s1, $0x11  }
0xbb: {  	s0 =	sor.u32 s1, s0  }
0xbc: {  	s0 =	sadd.s32 $0x8F2B, s0  }
0xbd: {  	[sflag:s0] =	ssyncadd.remote.s32 $0x1  }
0xbe: {  	_ =	sfence.sel $0xFFFF  }
0xbf: {  	[dreg:$0x0] =	wrdreg $0xFFFFFFFF;
	(pc) =	sbr.abs _section_cstart, $3  }
0xc0: {  	[dreg:$0x1] =	wrdreg $0xFFFFFFFF  }
0xc1: {  	_ =	task.clear_ibuf [dreg:s6], $0x2FFFF;
	_ =	strace $0x9FFFFFFF  }
0xc2: {  	(tm) =	ssettm $0x7FFFFFFF  }
0xc3: {  	_ =	shalt  }
tec
execute0_lowered:
.L_overlay_start_1:
0x0: {  	(tag) =	ssettag $0x1  }
0x1: {  	s6 =	rddreg [dreg:$0x0]  }
0x2: {  	s2 =	rddreg [dreg:$0x1];
	s3 =	srdreg.scid  }
0x3: {  	s0 =	rddreg [dreg:$0x2];
	s1 =	stileid.u32;
	s13 =	simm.s32 $0x2  }
0x4: {  	s14 =	simm.s32 $0x80;
	s15 =	simm.s32 $0x100;
	s16 =	simm.s32 $0x1  }
0x5: {  	s17 =	simm.s32 $0x0;
	s7 =	sand.u32 $0x1, s3;
	s9 =	smul.u32 $0x14000, s1  }
0x6: {  	s3 =	simm.s32 $0x0;
	s4 =	sshll.u32 s1, $0x8;
	s10 =	smul.u32 $0x50000, s1  }
0x7: {  	s31 =	sshll.u32 s1, $0x6;
	p0 =	slt.u32 s1, $0x2;
	s5 =	sshll.u32 s7, $0x7  }
0x8: {  	[smem:$0x7FF] =	sst s3;
	s8 =	smul.u32 $0x140000, s7;
	s7 =	ssub.s32 $0x2, s7  }
0x9: {  	s4 =	sor.u32 s5, s4;
	_ =	strace $0x8000004A;
	s30 =	sshrl.u32 s7, $0x1  }
0xa: {  	s10 =	sshrl.u32 s10, $0x2;
	s5 =	sshrl.u32 s4, $0x3;
	s4 =	sadd.s32 $0x16A00, s6  }
0xb: {  	s8 =	sadd.s32 s9, s8;
	s9 =	ssub.s32 s7, s30;
	s12 =	sadd.s32 s10, s2  }
0xc: {  	s7 =	sor.u32 $0x1C02, s31;
	s11 =	sadd.s32 s5, s6;
	s5 =	sadd.s32 $0x3EA00, s6  }
0xd: {  	s8 =	sshrl.u32 s8, $0x3;
	s9 =	smax.u32 s9, $0x1;
	s12 =	sshrl.u32 s12, $0x3  }
0xe: {  	s8 =	sadd.s32 s8, s6;
	s6 =	simm.s32 $0x4F;
	s10 =	sadd.s32 $0x2E00, s11  }
0xf: {  	s11 =	sadd.s32 $0xCC00, s11;
	s6 =	simm.s32 @!p0 $0x4E;
	s8 =	sadd.s32 $0x41200, s8  }
.LBB2_1:
0x10: {  	[spmem:s12], [sflag:s7] =	dma.local [hbm:s5], $0x2800  }
0x11: {  	_ =	swait.ge [sflag:s13], $0x2800  }
0x12: {  	[sflag:s13] =	ssyncset.done $0x0  }
0x13: {  	[sflag:s13] =	ssyncadd.s32 $0xFFFFD800  }
0x14: {  	[bflag:$0x0] =	sbarrier.arrive $0xFFFF  }
0x15: {  	[tilespmem:s3], [sflag:$0x2] =	stream.linear.gather [hbm4b:s11+s3], $0x80, $0x38;
	[tilespmem:$0x18100] =	vst v63  }
0x16: {  	_ =	swait.ge [sflag:s13], $0x80  }
0x17: {  	[sflag:s13] =	ssyncset.done $0x0  }
0x18: {  	[sflag:s13] =	ssyncadd.s32 $0xFFFFFF80  }
0x19: {  	[tilespmem:s14], [sflag:$0x2] =	stream.linear.gather [hbm4b:s10+s3], $0x80, $0x38;
	[tilespmem:$0x18100] =	vst v63  }
0x1a: {  	_ =	swait.ge [sflag:s13], $0x80  }
0x1b: {  	[sflag:s13] =	ssyncset.done $0x0  }
0x1c: {  	[sflag:s13] =	ssyncadd.s32 $0xFFFFFF80  }
0x1d: {  	[tilespmem:s15], [sflag:$0x1] =	stream.indirect.gather [hbm4b:s4+s14], $0x80, s3, s14, $0xb8;
	[tilespmem:$0x18100] =	vst v63  }
0x1e: {  	p0 =	sne.s32 s6, $0x1;
	_ =	swait.ge [sflag:s16], $0x4000  }
.Ltmp0:
0x1f: {  	[sflag:s16] =	ssyncset.done $0x0;
	(pc) =	sbr.rel @!p0 .LBB2_3-.Ltmp0, $4  }
0x20: {  	[sflag:s16] =	ssyncadd.s32 $0xFFFFC000  }
0x21: {  	[spmem:s2] =	stream.indirect.scatter.add.f32 [tilespmem:s15], [sflag:$0x2], $0x80, s14, s14, $0xb8;
	[tilespmem:$0x18100] =	vst v63  }
0x22: {  	s18 =	sadd.s32 $0xFFFFFFFF, s6;
	_ =	swait.ge [sflag:s13], $0x4000  }
0x23: {  	s19 =	smov.u32 s10;
	s20 =	smov.u32 s11;
	[sflag:s13] =	ssyncset.done $0x0  }
.LBB2_2:
0x24: {  	[sflag:s13] =	ssyncadd.s32 $0xFFFFC000;
	s19 =	sadd.s32 $0x200, s19;
	s20 =	sadd.s32 $0x200, s20  }
0x25: {  	[tilespmem:s3], [sflag:$0x2] =	stream.linear.gather [hbm4b:s20+s3], $0x80, $0x38;
	[tilespmem:$0x18100] =	vst v63  }
0x26: {  	p0 =	sne.s32 s18, $0x1;
	s18 =	sadd.s32 $0xFFFFFFFF, s18;
	_ =	swait.ge [sflag:s13], $0x80  }
0x27: {  	[sflag:s13] =	ssyncset.done $0x0  }
0x28: {  	[sflag:s13] =	ssyncadd.s32 $0xFFFFFF80  }
0x29: {  	[tilespmem:s14], [sflag:$0x2] =	stream.linear.gather [hbm4b:s19+s3], $0x80, $0x38;
	[tilespmem:$0x18100] =	vst v63  }
0x2a: {  	_ =	swait.ge [sflag:s13], $0x80  }
0x2b: {  	[sflag:s13] =	ssyncset.done $0x0  }
0x2c: {  	[sflag:s13] =	ssyncadd.s32 $0xFFFFFF80  }
0x2d: {  	[tilespmem:s15], [sflag:$0x1] =	stream.indirect.gather [hbm4b:s4+s14], $0x80, s3, s14, $0xb8;
	[tilespmem:$0x18100] =	vst v63  }
0x2e: {  	_ =	swait.ge [sflag:s16], $0x4000  }
.Ltmp1:
0x2f: {  	[sflag:s16] =	ssyncset.done $0x0;
	(pc) =	sbr.rel @p0 .LBB2_2-.Ltmp1, $4  }
0x30: {  	[sflag:s16] =	ssyncadd.s32 $0xFFFFC000  }
0x31: {  	[spmem:s2] =	stream.indirect.scatter.add.f32 [tilespmem:s15], [sflag:$0x2], $0x80, s14, s14, $0xb8;
	[tilespmem:$0x18100] =	vst v63  }
0x32: {  	_ =	swait.ge [sflag:s13], $0x4000  }
0x33: {  	[sflag:s13] =	ssyncset.done $0x0  }
.LBB2_3:
0x34: {  	s17 =	sadd.s32 $0x1, s17  }
0x35: {  	[sflag:s13] =	ssyncadd.s32 $0xFFFFC000;
	p0 =	sne.s32 s17, s9  }
.Ltmp2:
0x36: {  	[bflag:$0x0] =	sbarrier.arrive $0xFFFF;
	(pc) =	sbr.rel @p0 .LBB2_1-.Ltmp2, $4  }
0x37: {  	[hbm:s8], [sflag:s7] =	dma.local [spmem:s12], $0x2800  }
0x38: {  	_ =	swait.ge [sflag:s13], $0x2800  }
0x39: {  	[sflag:s13] =	ssyncset.done $0x0  }
0x3a: {  	[sflag:s13] =	ssyncadd.s32 $0xFFFFD800  }
0x3b: {  	_ =	sfence.sel $0x180000  }
0x3c: {  	[bflag:$0x0] =	sbarrier.arrive $0xFFFF  }
0x3d: {  	p0 =	sne.s32 s1, $0x0;
	_ =	strace $0x9000004A  }
0x3e: {  	s0 =	sadd.s32 @!p0 $0x100000, s0;
	[bflag:$0x2] =	sbarrier.arrive $0xFFFF  }
0x3f: {  	[sflag:s0] =	ssyncadd.tile.s32 @!p0 $0x1;
	_ =	shalt  }
.Lfunc_end2:
_tile_overlayer_lowered:
.L_overlay_start_2:
0x40: {  	(tag) =	ssettag $0x2  }
0x41: {  	s0 =	rddreg [dreg:$0x0];
	s2 =	stileid.u32  }
0x42: {  	s1 =	rddreg [dreg:$0x1];
	p0 =	sne.s32 s2, $0x0  }
0x43: {  	s3 =	rddreg [dreg:$0x2];
	[bflag:$0x3] =	sbarrier.arrive $0xFFFF;
	s2 =	simm.s32 @!p0 $0x1C02  }
0x44: {  	[timem:s3], [sflag:s2] =	dma.local @!p0 [hbm:s0], s1  }
0x45: {  	s0 =	simm.s32 @!p0 $0x2  }
0x46: {  	_ =	swait.ge @!p0 [sflag:s0], s1  }
0x47: {  	s1 =	ssub.s32 @!p0 $0x0, s1;
	[sflag:s0] =	ssyncset.done @!p0 $0x0  }
0x48: {  	[sflag:s0] =	ssyncadd.s32 @!p0 s1  }
0x49: {  	[bflag:$0x3] =	sbarrier.arrive $0xFFFF  }
0x4a: {  	_ =	shalt  }

</sc_bundles>
